<compile_context>
chip_gen: v7x
topology: tpu7x:2x2x1
jax: 0.10.2.dev20260603
libtpu: 0.0.44.dev20260713+nightly
codegen_flags: <defaults>
</compile_context>

<pallas_src>
import functools
import math

import jax
import jax.numpy as jnp
import numpy as np
from jax import lax
from jax.experimental import pallas as pl
from jax.experimental.pallas import tpu as pltpu
from jax.experimental.pallas import tpu_sc as plsc


def _sc_gather(table, idx2d, n_tokens, chunk=1024, grp=128):
    d = table.shape[1]
    dt = table.dtype
    info = plsc.get_sparse_core_info()
    nw = info.num_cores * info.num_subcores
    n_per_w = n_tokens // nw
    n_outer = n_per_w // chunk
    n_grp = chunk // grp
    grp_rows_per_w = n_per_w // grp
    mesh = plsc.VectorSubcoreMesh(core_axis_name="c", subcore_axis_name="s")

    @functools.partial(
        pl.kernel,
        mesh=mesh,
        out_type=jax.ShapeDtypeStruct((n_tokens, d), dt),
        scratch_types=[
            pltpu.VMEM((n_grp, grp), jnp.int32),
            pltpu.VMEM((chunk, d), dt),
            pltpu.SemaphoreType.DMA,
        ],
        compiler_params=pltpu.CompilerParams(use_tc_tiling_on_sc=False),
    )
    def k(table_hbm, idx_hbm, out_hbm, idx_v, rows_v, sem):
        wid = lax.axis_index("s") * info.num_cores + lax.axis_index("c")
        tok_base = wid * n_per_w
        row_base = wid * grp_rows_per_w

        def body(i, carry):
            pltpu.sync_copy(idx_hbm.at[pl.ds(row_base + i * n_grp, n_grp)], idx_v)
            copies = [
                pltpu.async_copy(
                    table_hbm.at[idx_v.at[j]],
                    rows_v.at[pl.ds(j * grp, grp)],
                    sem,
                )
                for j in range(n_grp)
            ]
            for c in copies:
                c.wait()
            pltpu.sync_copy(rows_v, out_hbm.at[pl.ds(tok_base + i * chunk, chunk)])
            return carry

        lax.fori_loop(0, n_outer, body, 0)

    return k(table, idx2d)


_BB = 32
_ROWS = 5
_LANES = 1280
_TBLK = _ROWS * _LANES


def _tc_body(gath_ref, pub_ref, cat_ref, cnt_ref, per_ref, imp_ref, days_ref,
             nv_ref, sp_ref, ma_ref, wext_ref, w1_ref, impw_ref, ph_ref,
             g_ref, b_ref, out_ref):
    s = out_ref.shape[1]
    gath = gath_ref[...].astype(jnp.bfloat16)
    wext = wext_ref[...].astype(jnp.bfloat16)
    w1 = w1_ref[...].astype(jnp.bfloat16)
    iota_c = lax.broadcasted_iota(jnp.int32, (32, _LANES), 0)
    one = jnp.float32(1.0)
    zero = jnp.float32(0.0)
    pieces = []
    for r in range(_ROWS):
        pub = pub_ref[:, r, :]
        cat = cat_ref[:, r, :]
        cnt = cnt_ref[:, r, :]
        per = per_ref[:, r, :]
        oh = (jnp.where(pub == iota_c, one, zero)
              + jnp.where(cat + 6 == iota_c, one, zero)
              + jnp.where(cnt + 14 == iota_c, one, zero)
              + jnp.where(per + 20 == iota_c, one, zero))
        dayc = jnp.clip(jnp.abs(days_ref[:, r, :]), 0, 364).astype(jnp.float32)
        pe_v = jnp.sin(dayc * ph_ref[:, 0:1] + ph_ref[:, 1:2])
        dense = pe_v + imp_ref[:, r, :] * impw_ref[...]
        accT = jnp.concatenate(
            [oh, dense, nv_ref[:, r, :], sp_ref[:, r, :], ma_ref[:, r, :],
             jnp.ones((1, _LANES), jnp.float32)], axis=0)
        out64 = lax.dot_general(
            accT.astype(jnp.bfloat16), wext,
            (((0,), (0,)), ((), ())),
            preferred_element_type=jnp.float32)
        out64 = out64 + jnp.dot(
            gath[r * _LANES:(r + 1) * _LANES, :], w1,
            preferred_element_type=jnp.float32)
        m = jnp.mean(out64, axis=1, keepdims=True)
        cen = out64 - m
        var = jnp.mean(cen * cen, axis=1, keepdims=True)
        pieces.append(cen * lax.rsqrt(var + 1e-5) * g_ref[...] + b_ref[...])
    out_ref[...] = jnp.concatenate(pieces, axis=0).reshape(_BB, s, 64)


def _tc_fused(gathered, pub, cat, cnt, per, imp, days, nv, sp, ma,
              wext, w1, impw_col, ph_col, g_row, b_row, b, s):
    n = gathered.shape[0]
    grid = (n // _TBLK,)
    tok3 = pl.BlockSpec((1, _ROWS, _LANES), lambda i: (i, 0, 0))
    full = lambda shp: pl.BlockSpec(shp, lambda i: (0,) * len(shp))
    return pl.pallas_call(
        _tc_body,
        grid=grid,
        in_specs=[
            pl.BlockSpec((_TBLK, 32), lambda i: (i, 0)),
            tok3, tok3, tok3, tok3,
            tok3, tok3,
            tok3, tok3, tok3,
            full((68, 64)),
            full((32, 64)),
            full((32, 1)),
            full((32, 2)),
            full((1, 64)), full((1, 64)),
        ],
        out_specs=pl.BlockSpec((_BB, s, 64), lambda i: (i, 0, 0)),
        out_shape=jax.ShapeDtypeStruct((b, s, 64), jnp.float32),
        compiler_params=pltpu.CompilerParams(
            dimension_semantics=("arbitrary",),
        ),
    )(gathered, pub, cat, cnt, per, imp, days, nv, sp, ma,
      wext, w1, impw_col, ph_col, g_row, b_row)


def kernel(indicator_ids, pub_type_ids, category_ids, country_ids,
           periodicity_ids, importance, days_offset, normalized_value,
           surprise, ma5, identity_table, type_table, category_table,
           country_table, periodicity_table, imp_W, imp_b, pe, proj_W,
           proj_b, ln_gamma, ln_beta):
    b, s = indicator_ids.shape
    n = b * s
    d = identity_table.shape[1]

    stacked = jnp.concatenate(
        [type_table, category_table, country_table, periodicity_table,
         jnp.zeros((32 - 25, d), jnp.float32)], axis=0)
    div_term = np.exp(np.arange(0, d, 2).astype(np.float32)
                      * (-math.log(10000.0) / d))
    freq = np.repeat(div_term, 2).reshape(d, 1)
    phase = np.tile(np.array([0.0, 0.5 * math.pi], np.float32),
                    d // 2).reshape(d, 1)
    ph_col = jnp.asarray(np.concatenate([freq, phase], axis=1))
    w1 = proj_W[:, :d].T
    w2 = proj_W[:, d:].T
    hi = lax.Precision.HIGHEST
    stacked_w1 = jnp.dot(stacked, w1, precision=hi)
    const_row = (jnp.dot(imp_b, w1, precision=hi) + proj_b).reshape(1, 64)
    wext = jnp.concatenate([stacked_w1, w1, w2, const_row], axis=0)

    bh = b // 2
    nh = bh * s
    gh = nh // _TBLK
    row3_i = lambda x: x.astype(jnp.int32).reshape(gh, _ROWS, _LANES)
    row3_f = lambda x: x.astype(jnp.float32).reshape(gh, _ROWS, _LANES)
    outs = []
    for h in range(2):
        sl = slice(h * bh, (h + 1) * bh)
        idx2d = indicator_ids[sl].astype(jnp.int32).reshape(nh // 128, 128)
        gathered = _sc_gather(identity_table, idx2d, nh, chunk=512)
        outs.append(_tc_fused(
            gathered,
            row3_i(pub_type_ids[sl]), row3_i(category_ids[sl]),
            row3_i(country_ids[sl]), row3_i(periodicity_ids[sl]),
            row3_f(importance[sl]), row3_i(days_offset[sl]),
            row3_f(normalized_value[sl]), row3_f(surprise[sl]),
            row3_f(ma5[sl]),
            wext, w1, imp_W[:, 0].reshape(d, 1), ph_col,
            ln_gamma.reshape(1, 64), ln_beta.reshape(1, 64), bh, s))
    return jnp.concatenate(outs, axis=0)

# --- scband reference (transcript-rebuilt; emitter-appended) ---
"""Pipeline reference for scband-macro-token-embedding-28406913696231 (READ-ONLY COPY).

The authoritative reference and input builder live on the scoring server;
editing this copy changes nothing except your own understanding.
"""

import jax, jax.numpy as jnp
import numpy as np
import math

B = 4096
S = 200
NUM_IND = 100000
NUM_PUB = 6
NUM_CAT = 8
NUM_REG = 6
NUM_PER = 5
D_EMBED = 32
D_MODEL = 64
MAX_DAYS = 365


def _make_pe():
    position = np.arange(MAX_DAYS)[:, None].astype(np.float32)
    div_term = np.exp(np.arange(0, D_EMBED, 2).astype(np.float32) * (-math.log(10000.0) / D_EMBED))
    pe = np.zeros((MAX_DAYS, D_EMBED), dtype=np.float32)
    pe[:, 0::2] = np.sin(position * div_term)
    pe[:, 1::2] = np.cos(position * div_term)
    return jnp.asarray(pe)


def setup_inputs(seed: int = 0) -> dict:
    key = jax.random.key(seed)
    ks = [jax.random.fold_in(key, i) for i in range(24)]
    inp = {}
    inp['indicator_ids'] = jax.random.randint(ks[0], (B, S), 0, NUM_IND)
    inp['pub_type_ids'] = jax.random.randint(ks[1], (B, S), 0, NUM_PUB)
    inp['category_ids'] = jax.random.randint(ks[2], (B, S), 0, NUM_CAT)
    inp['country_ids'] = jax.random.randint(ks[3], (B, S), 0, NUM_REG)
    inp['periodicity_ids'] = jax.random.randint(ks[4], (B, S), 0, NUM_PER)
    inp['importance'] = jax.random.uniform(ks[5], (B, S), jnp.float32)
    inp['days_offset'] = jax.random.randint(ks[6], (B, S), 0, MAX_DAYS)
    inp['normalized_value'] = jax.random.normal(ks[7], (B, S), jnp.float32)
    inp['surprise'] = jax.random.normal(ks[8], (B, S), jnp.float32)
    inp['ma5'] = jax.random.normal(ks[9], (B, S), jnp.float32)
    inp['identity_table'] = jax.random.normal(ks[10], (NUM_IND, D_EMBED), jnp.float32) * 0.02
    inp['type_table'] = jax.random.normal(ks[11], (NUM_PUB, D_EMBED), jnp.float32) * 0.02
    inp['category_table'] = jax.random.normal(ks[12], (NUM_CAT, D_EMBED), jnp.float32) * 0.02
    inp['country_table'] = jax.random.normal(ks[13], (NUM_REG, D_EMBED), jnp.float32) * 0.02
    inp['periodicity_table'] = jax.random.normal(ks[14], (NUM_PER, D_EMBED), jnp.float32) * 0.02
    inp['imp_W'] = jax.random.normal(ks[15], (D_EMBED, 1), jnp.float32) * 0.1
    inp['imp_b'] = jnp.zeros((D_EMBED,), jnp.float32)
    inp['pe'] = _make_pe()
    inp['proj_W'] = jax.random.normal(ks[16], (D_MODEL, D_EMBED + 3), jnp.float32) * 0.1
    inp['proj_b'] = jnp.zeros((D_MODEL,), jnp.float32)
    inp['ln_gamma'] = jnp.ones((D_MODEL,), jnp.float32)
    inp['ln_beta'] = jnp.zeros((D_MODEL,), jnp.float32)
    return inp


def reference(indicator_ids, pub_type_ids, category_ids, country_ids, periodicity_ids,
              importance, days_offset, normalized_value, surprise, ma5,
              identity_table, type_table, category_table, country_table, periodicity_table,
              imp_W, imp_b, pe, proj_W, proj_b, ln_gamma, ln_beta):
    e_identity = jnp.take(identity_table, indicator_ids, axis=0)
    e_type = jnp.take(type_table, pub_type_ids, axis=0)
    e_category = jnp.take(category_table, category_ids, axis=0)
    e_country = jnp.take(country_table, country_ids, axis=0)
    e_periodicity = jnp.take(periodicity_table, periodicity_ids, axis=0)
    e_importance = importance[..., None] * imp_W[:, 0] + imp_b
    idx = jnp.clip(jnp.abs(days_offset), 0, MAX_DAYS - 1)
    e_temporal = jnp.take(pe, idx, axis=0)
    e_total = e_identity + e_type + e_category + e_country + e_periodicity + e_importance + e_temporal
    numerical = jnp.stack([normalized_value, surprise, ma5], axis=-1)
    combined = jnp.concatenate([e_total, numerical], axis=-1)
    out = combined @ proj_W.T + proj_b
    mean = jnp.mean(out, axis=-1, keepdims=True)
    var = jnp.var(out, axis=-1, keepdims=True)
    out = (out - mean) / jnp.sqrt(var + 1e-5) * ln_gamma + ln_beta
    return out

if __name__ == "__main__":
    import jax
    _d = setup_inputs()
    print(jax.jit(kernel)(*tuple(_d.values())))

</pallas_src>

<mosaic_0001>
#map = affine_map<(d0, d1) -> (0, 0)>
module attributes {stable_mosaic.version = 14 : i64} {
  func.func @k(%arg0: i32, %arg1: i32, %arg2: memref<100000x32xf32, #tpu.memory_space<hbm>>, %arg3: memref<3200x128xi32, #tpu.memory_space<hbm>>, %arg4: memref<409600x32xf32, #tpu.memory_space<hbm>>, %arg5: memref<4x128xi32, #tpu.memory_space<vmem>>, %arg6: memref<512x32xf32, #tpu.memory_space<vmem>>, %arg7: memref<!tpu.dma_semaphore, #tpu.memory_space<semaphore_mem>>) attributes {dimension_semantics = [#tpu.dimension_semantics<core_parallel>, #tpu.dimension_semantics<subcore_parallel>], iteration_bounds = array<i64: 2, 16>, scalar_prefetch = 0 : i64, scratch_operands = 3 : i64, tpu.core_type = #tpu.core_type<sc_vector_subcore>, window_params = [{transform_indices = #map}, {transform_indices = #map}, {transform_indices = #map}]} {
    %mul3A = arith.constant 2 : i32
    %mul3A_0 = arith.muli %arg1, %mul3A : i32
    %add3A = arith.addi %mul3A_0, %arg0 : i32
    %mul3A_1 = arith.constant 12800 : i32
    %mul3A_2 = arith.muli %add3A, %mul3A_1 : i32
    %mul3A_3 = arith.constant 100 : i32
    %mul3A_4 = arith.muli %add3A, %mul3A_3 : i32
    %scan3A = arith.constant 0 : i32
    %scan3A_5 = arith.constant 0 : i32
    %scan3A_6 = arith.constant 25 : i32
    %scan3A_7 = arith.addi %scan3A_5, %scan3A_6 : i32
    %scan3A_8 = arith.constant 1 : i32
    scf.for %scan3A_10 = %scan3A_5 to %scan3A_7 step %scan3A_8  : i32 {
      %mul3A_11 = arith.constant 4 : i32
      %mul3A_12 = arith.muli %scan3A_10, %mul3A_11 : i32
      %add3A_13 = arith.addi %mul3A_4, %mul3A_12 : i32
      "tpu.region"() ({
        %run_scoped3A = tpu.sem_alloc : memref<!tpu.dma_semaphore, #tpu.memory_space<semaphore_mem>>
        %dma_start3A_95 = arith.constant 0 : i32
        %dma_start3A_96 = tpu.memref_slice %arg3[%add3A_13, %dma_start3A_95] : memref<3200x128xi32, #tpu.memory_space<hbm>> -> memref<4x128xi32, #tpu.memory_space<hbm>>
        %dma_start3A_97 = arith.constant 0 : i32
        %dma_start3A_98 = tpu.memref_slice %arg3[%add3A_13, %dma_start3A_97] : memref<3200x128xi32, #tpu.memory_space<hbm>> -> memref<4x128xi32, #tpu.memory_space<hbm>>
        tpu.enqueue_dma source(%dma_start3A_98 : memref<4x128xi32, #tpu.memory_space<hbm>>) target(%arg5 : memref<4x128xi32, #tpu.memory_space<vmem>>) target_semaphore(%run_scoped3A : memref<!tpu.dma_semaphore, #tpu.memory_space<semaphore_mem>>)
        %dma_wait3A_99 = arith.constant 0 : i32
        %dma_wait3A_100 = tpu.memref_slice %arg3[%add3A_13, %dma_wait3A_99] : memref<3200x128xi32, #tpu.memory_space<hbm>> -> memref<4x128xi32, #tpu.memory_space<hbm>>
        %dma_wait3A_101 = arith.constant 0 : i32
        %dma_wait3A_102 = tpu.memref_slice %arg3[%add3A_13, %dma_wait3A_101] : memref<3200x128xi32, #tpu.memory_space<hbm>> -> memref<4x128xi32, #tpu.memory_space<hbm>>
        tpu.wait_dma2 semaphore(%run_scoped3A : memref<!tpu.dma_semaphore, #tpu.memory_space<semaphore_mem>>) src(%dma_wait3A_102 : memref<4x128xi32, #tpu.memory_space<hbm>>) dst(%arg5 : memref<4x128xi32, #tpu.memory_space<vmem>>)
        tpu.yield
      }) : () -> ()
      %dma_start3A = arith.constant 0 : i32
      %dma_start3A_14 = arith.constant 0 : i32
      %dma_start3A_15 = arith.constant 0 : i32
      %dma_start3A_16 = tpu.memref_slice %arg6[%dma_start3A_14, %dma_start3A_15] : memref<512x32xf32, #tpu.memory_space<vmem>> -> memref<128x32xf32, #tpu.memory_space<vmem>>
      %dma_start3A_17 = arith.constant 0 : i32
      %dma_start3A_18 = tpu.memref_slice %arg5[%dma_start3A, %dma_start3A_17] : memref<4x128xi32, #tpu.memory_space<vmem>> -> memref<1x128xi32, #tpu.memory_space<vmem>>
      %dma_start3A_19 = tpu.memref_squeeze %dma_start3A_18 : memref<1x128xi32, #tpu.memory_space<vmem>> -> memref<128xi32, #tpu.memory_space<vmem>>
      %dma_start3A_20 = arith.constant 0 : i32
      %dma_start3A_21 = arith.constant 0 : i32
      %dma_start3A_22 = tpu.memref_slice %arg2[%dma_start3A_20, %dma_start3A_21] : memref<100000x32xf32, #tpu.memory_space<hbm>> -> memref<100000x32xf32, #tpu.memory_space<hbm>>
      tpu.enqueue_indirect_dma source(%dma_start3A_22 : memref<100000x32xf32, #tpu.memory_space<hbm>>) target(%dma_start3A_16 : memref<128x32xf32, #tpu.memory_space<vmem>>) offsets(%dma_start3A_19 : memref<128xi32, #tpu.memory_space<vmem>>) semaphore(%arg7 : memref<!tpu.dma_semaphore, #tpu.memory_space<semaphore_mem>>)
      %dma_start3A_23 = arith.constant 1 : i32
      %dma_start3A_24 = arith.constant 128 : i32
      %dma_start3A_25 = arith.constant 0 : i32
      %dma_start3A_26 = tpu.memref_slice %arg6[%dma_start3A_24, %dma_start3A_25] : memref<512x32xf32, #tpu.memory_space<vmem>> -> memref<128x32xf32, #tpu.memory_space<vmem>>
      %dma_start3A_27 = arith.constant 0 : i32
      %dma_start3A_28 = tpu.memref_slice %arg5[%dma_start3A_23, %dma_start3A_27] : memref<4x128xi32, #tpu.memory_space<vmem>> -> memref<1x128xi32, #tpu.memory_space<vmem>>
      %dma_start3A_29 = tpu.memref_squeeze %dma_start3A_28 : memref<1x128xi32, #tpu.memory_space<vmem>> -> memref<128xi32, #tpu.memory_space<vmem>>
      %dma_start3A_30 = arith.constant 0 : i32
      %dma_start3A_31 = arith.constant 0 : i32
      %dma_start3A_32 = tpu.memref_slice %arg2[%dma_start3A_30, %dma_start3A_31] : memref<100000x32xf32, #tpu.memory_space<hbm>> -> memref<100000x32xf32, #tpu.memory_space<hbm>>
      tpu.enqueue_indirect_dma source(%dma_start3A_32 : memref<100000x32xf32, #tpu.memory_space<hbm>>) target(%dma_start3A_26 : memref<128x32xf32, #tpu.memory_space<vmem>>) offsets(%dma_start3A_29 : memref<128xi32, #tpu.memory_space<vmem>>) semaphore(%arg7 : memref<!tpu.dma_semaphore, #tpu.memory_space<semaphore_mem>>)
      %dma_start3A_33 = arith.constant 2 : i32
      %dma_start3A_34 = arith.constant 256 : i32
      %dma_start3A_35 = arith.constant 0 : i32
      %dma_start3A_36 = tpu.memref_slice %arg6[%dma_start3A_34, %dma_start3A_35] : memref<512x32xf32, #tpu.memory_space<vmem>> -> memref<128x32xf32, #tpu.memory_space<vmem>>
      %dma_start3A_37 = arith.constant 0 : i32
      %dma_start3A_38 = tpu.memref_slice %arg5[%dma_start3A_33, %dma_start3A_37] : memref<4x128xi32, #tpu.memory_space<vmem>> -> memref<1x128xi32, #tpu.memory_space<vmem>>
      %dma_start3A_39 = tpu.memref_squeeze %dma_start3A_38 : memref<1x128xi32, #tpu.memory_space<vmem>> -> memref<128xi32, #tpu.memory_space<vmem>>
      %dma_start3A_40 = arith.constant 0 : i32
      %dma_start3A_41 = arith.constant 0 : i32
      %dma_start3A_42 = tpu.memref_slice %arg2[%dma_start3A_40, %dma_start3A_41] : memref<100000x32xf32, #tpu.memory_space<hbm>> -> memref<100000x32xf32, #tpu.memory_space<hbm>>
      tpu.enqueue_indirect_dma source(%dma_start3A_42 : memref<100000x32xf32, #tpu.memory_space<hbm>>) target(%dma_start3A_36 : memref<128x32xf32, #tpu.memory_space<vmem>>) offsets(%dma_start3A_39 : memref<128xi32, #tpu.memory_space<vmem>>) semaphore(%arg7 : memref<!tpu.dma_semaphore, #tpu.memory_space<semaphore_mem>>)
      %dma_start3A_43 = arith.constant 3 : i32
      %dma_start3A_44 = arith.constant 384 : i32
      %dma_start3A_45 = arith.constant 0 : i32
      %dma_start3A_46 = tpu.memref_slice %arg6[%dma_start3A_44, %dma_start3A_45] : memref<512x32xf32, #tpu.memory_space<vmem>> -> memref<128x32xf32, #tpu.memory_space<vmem>>
      %dma_start3A_47 = arith.constant 0 : i32
      %dma_start3A_48 = tpu.memref_slice %arg5[%dma_start3A_43, %dma_start3A_47] : memref<4x128xi32, #tpu.memory_space<vmem>> -> memref<1x128xi32, #tpu.memory_space<vmem>>
      %dma_start3A_49 = tpu.memref_squeeze %dma_start3A_48 : memref<1x128xi32, #tpu.memory_space<vmem>> -> memref<128xi32, #tpu.memory_space<vmem>>
      %dma_start3A_50 = arith.constant 0 : i32
      %dma_start3A_51 = arith.constant 0 : i32
      %dma_start3A_52 = tpu.memref_slice %arg2[%dma_start3A_50, %dma_start3A_51] : memref<100000x32xf32, #tpu.memory_space<hbm>> -> memref<100000x32xf32, #tpu.memory_space<hbm>>
      tpu.enqueue_indirect_dma source(%dma_start3A_52 : memref<100000x32xf32, #tpu.memory_space<hbm>>) target(%dma_start3A_46 : memref<128x32xf32, #tpu.memory_space<vmem>>) offsets(%dma_start3A_49 : memref<128xi32, #tpu.memory_space<vmem>>) semaphore(%arg7 : memref<!tpu.dma_semaphore, #tpu.memory_space<semaphore_mem>>)
      %dma_wait3A = arith.constant 0 : i32
      %dma_wait3A_53 = arith.constant 0 : i32
      %dma_wait3A_54 = arith.constant 0 : i32
      %dma_wait3A_55 = tpu.memref_slice %arg6[%dma_wait3A_53, %dma_wait3A_54] : memref<512x32xf32, #tpu.memory_space<vmem>> -> memref<128x32xf32, #tpu.memory_space<vmem>>
      %dma_wait3A_56 = arith.constant 0 : i32
      %dma_wait3A_57 = tpu.memref_slice %arg5[%dma_wait3A, %dma_wait3A_56] : memref<4x128xi32, #tpu.memory_space<vmem>> -> memref<1x128xi32, #tpu.memory_space<vmem>>
      %dma_wait3A_58 = tpu.memref_squeeze %dma_wait3A_57 : memref<1x128xi32, #tpu.memory_space<vmem>> -> memref<128xi32, #tpu.memory_space<vmem>>
      %dma_wait3A_59 = arith.constant 0 : i32
      %dma_wait3A_60 = arith.constant 0 : i32
      %dma_wait3A_61 = tpu.memref_slice %arg2[%dma_wait3A_59, %dma_wait3A_60] : memref<100000x32xf32, #tpu.memory_space<hbm>> -> memref<100000x32xf32, #tpu.memory_space<hbm>>
      tpu.wait_indirect_dma semaphore(%arg7 : memref<!tpu.dma_semaphore, #tpu.memory_space<semaphore_mem>>) src(%dma_wait3A_61 : memref<100000x32xf32, #tpu.memory_space<hbm>>) dst(%dma_wait3A_55 : memref<128x32xf32, #tpu.memory_space<vmem>>)
      %dma_wait3A_62 = arith.constant 1 : i32
      %dma_wait3A_63 = arith.constant 128 : i32
      %dma_wait3A_64 = arith.constant 0 : i32
      %dma_wait3A_65 = tpu.memref_slice %arg6[%dma_wait3A_63, %dma_wait3A_64] : memref<512x32xf32, #tpu.memory_space<vmem>> -> memref<128x32xf32, #tpu.memory_space<vmem>>
      %dma_wait3A_66 = arith.constant 0 : i32
      %dma_wait3A_67 = tpu.memref_slice %arg5[%dma_wait3A_62, %dma_wait3A_66] : memref<4x128xi32, #tpu.memory_space<vmem>> -> memref<1x128xi32, #tpu.memory_space<vmem>>
      %dma_wait3A_68 = tpu.memref_squeeze %dma_wait3A_67 : memref<1x128xi32, #tpu.memory_space<vmem>> -> memref<128xi32, #tpu.memory_space<vmem>>
      %dma_wait3A_69 = arith.constant 0 : i32
      %dma_wait3A_70 = arith.constant 0 : i32
      %dma_wait3A_71 = tpu.memref_slice %arg2[%dma_wait3A_69, %dma_wait3A_70] : memref<100000x32xf32, #tpu.memory_space<hbm>> -> memref<100000x32xf32, #tpu.memory_space<hbm>>
      tpu.wait_indirect_dma semaphore(%arg7 : memref<!tpu.dma_semaphore, #tpu.memory_space<semaphore_mem>>) src(%dma_wait3A_71 : memref<100000x32xf32, #tpu.memory_space<hbm>>) dst(%dma_wait3A_65 : memref<128x32xf32, #tpu.memory_space<vmem>>)
      %dma_wait3A_72 = arith.constant 2 : i32
      %dma_wait3A_73 = arith.constant 256 : i32
      %dma_wait3A_74 = arith.constant 0 : i32
      %dma_wait3A_75 = tpu.memref_slice %arg6[%dma_wait3A_73, %dma_wait3A_74] : memref<512x32xf32, #tpu.memory_space<vmem>> -> memref<128x32xf32, #tpu.memory_space<vmem>>
      %dma_wait3A_76 = arith.constant 0 : i32
      %dma_wait3A_77 = tpu.memref_slice %arg5[%dma_wait3A_72, %dma_wait3A_76] : memref<4x128xi32, #tpu.memory_space<vmem>> -> memref<1x128xi32, #tpu.memory_space<vmem>>
      %dma_wait3A_78 = tpu.memref_squeeze %dma_wait3A_77 : memref<1x128xi32, #tpu.memory_space<vmem>> -> memref<128xi32, #tpu.memory_space<vmem>>
      %dma_wait3A_79 = arith.constant 0 : i32
      %dma_wait3A_80 = arith.constant 0 : i32
      %dma_wait3A_81 = tpu.memref_slice %arg2[%dma_wait3A_79, %dma_wait3A_80] : memref<100000x32xf32, #tpu.memory_space<hbm>> -> memref<100000x32xf32, #tpu.memory_space<hbm>>
      tpu.wait_indirect_dma semaphore(%arg7 : memref<!tpu.dma_semaphore, #tpu.memory_space<semaphore_mem>>) src(%dma_wait3A_81 : memref<100000x32xf32, #tpu.memory_space<hbm>>) dst(%dma_wait3A_75 : memref<128x32xf32, #tpu.memory_space<vmem>>)
      %dma_wait3A_82 = arith.constant 3 : i32
      %dma_wait3A_83 = arith.constant 384 : i32
      %dma_wait3A_84 = arith.constant 0 : i32
      %dma_wait3A_85 = tpu.memref_slice %arg6[%dma_wait3A_83, %dma_wait3A_84] : memref<512x32xf32, #tpu.memory_space<vmem>> -> memref<128x32xf32, #tpu.memory_space<vmem>>
      %dma_wait3A_86 = arith.constant 0 : i32
      %dma_wait3A_87 = tpu.memref_slice %arg5[%dma_wait3A_82, %dma_wait3A_86] : memref<4x128xi32, #tpu.memory_space<vmem>> -> memref<1x128xi32, #tpu.memory_space<vmem>>
      %dma_wait3A_88 = tpu.memref_squeeze %dma_wait3A_87 : memref<1x128xi32, #tpu.memory_space<vmem>> -> memref<128xi32, #tpu.memory_space<vmem>>
      %dma_wait3A_89 = arith.constant 0 : i32
      %dma_wait3A_90 = arith.constant 0 : i32
      %dma_wait3A_91 = tpu.memref_slice %arg2[%dma_wait3A_89, %dma_wait3A_90] : memref<100000x32xf32, #tpu.memory_space<hbm>> -> memref<100000x32xf32, #tpu.memory_space<hbm>>
      tpu.wait_indirect_dma semaphore(%arg7 : memref<!tpu.dma_semaphore, #tpu.memory_space<semaphore_mem>>) src(%dma_wait3A_91 : memref<100000x32xf32, #tpu.memory_space<hbm>>) dst(%dma_wait3A_85 : memref<128x32xf32, #tpu.memory_space<vmem>>)
      %mul3A_92 = arith.constant 512 : i32
      %mul3A_93 = arith.muli %scan3A_10, %mul3A_92 : i32
      %add3A_94 = arith.addi %mul3A_2, %mul3A_93 : i32
      "tpu.region"() ({
        %run_scoped3A = tpu.sem_alloc : memref<!tpu.dma_semaphore, #tpu.memory_space<semaphore_mem>>
        %dma_start3A_95 = arith.constant 0 : i32
        %dma_start3A_96 = tpu.memref_slice %arg4[%add3A_94, %dma_start3A_95] : memref<409600x32xf32, #tpu.memory_space<hbm>> -> memref<512x32xf32, #tpu.memory_space<hbm>>
        %dma_start3A_97 = arith.constant 0 : i32
        %dma_start3A_98 = tpu.memref_slice %arg4[%add3A_94, %dma_start3A_97] : memref<409600x32xf32, #tpu.memory_space<hbm>> -> memref<512x32xf32, #tpu.memory_space<hbm>>
        tpu.enqueue_dma source(%arg6 : memref<512x32xf32, #tpu.memory_space<vmem>>) target(%dma_start3A_98 : memref<512x32xf32, #tpu.memory_space<hbm>>) target_semaphore(%run_scoped3A : memref<!tpu.dma_semaphore, #tpu.memory_space<semaphore_mem>>)
        %dma_wait3A_99 = arith.constant 0 : i32
        %dma_wait3A_100 = tpu.memref_slice %arg4[%add3A_94, %dma_wait3A_99] : memref<409600x32xf32, #tpu.memory_space<hbm>> -> memref<512x32xf32, #tpu.memory_space<hbm>>
        %dma_wait3A_101 = arith.constant 0 : i32
        %dma_wait3A_102 = tpu.memref_slice %arg4[%add3A_94, %dma_wait3A_101] : memref<409600x32xf32, #tpu.memory_space<hbm>> -> memref<512x32xf32, #tpu.memory_space<hbm>>
        tpu.wait_dma2 semaphore(%run_scoped3A : memref<!tpu.dma_semaphore, #tpu.memory_space<semaphore_mem>>) src(%arg6 : memref<512x32xf32, #tpu.memory_space<vmem>>) dst(%dma_wait3A_102 : memref<512x32xf32, #tpu.memory_space<hbm>>)
        tpu.yield
      }) : () -> ()
    }
    %scan3A_9 = arith.constant 25 : i32
    return
  }
}

#map = affine_map<(d0, d1) -> (0, 0)>
module attributes {stable_mosaic.version = 14 : i64} {
  func.func @k(%arg0: i32, %arg1: i32, %arg2: memref<100000x32xf32, #tpu.memory_space<hbm>>, %arg3: memref<3200x128xi32, #tpu.memory_space<hbm>>, %arg4: memref<409600x32xf32, #tpu.memory_space<hbm>>, %arg5: memref<4x128xi32, #tpu.memory_space<vmem>>, %arg6: memref<512x32xf32, #tpu.memory_space<vmem>>, %arg7: memref<!tpu.dma_semaphore, #tpu.memory_space<semaphore_mem>>) attributes {dimension_semantics = [#tpu.dimension_semantics<core_parallel>, #tpu.dimension_semantics<subcore_parallel>], iteration_bounds = array<i64: 2, 16>, scalar_prefetch = 0 : i64, scratch_operands = 3 : i64, tpu.core_type = #tpu.core_type<sc_vector_subcore>, window_params = [{transform_indices = #map}, {transform_indices = #map}, {transform_indices = #map}]} {
    %mul3A = arith.constant 2 : i32
    %mul3A_0 = arith.muli %arg1, %mul3A : i32
    %add3A = arith.addi %mul3A_0, %arg0 : i32
    %mul3A_1 = arith.constant 12800 : i32
    %mul3A_2 = arith.muli %add3A, %mul3A_1 : i32
    %mul3A_3 = arith.constant 100 : i32
    %mul3A_4 = arith.muli %add3A, %mul3A_3 : i32
    %scan3A = arith.constant 0 : i32
    %scan3A_5 = arith.constant 0 : i32
    %scan3A_6 = arith.constant 25 : i32
    %scan3A_7 = arith.addi %scan3A_5, %scan3A_6 : i32
    %scan3A_8 = arith.constant 1 : i32
    scf.for %scan3A_10 = %scan3A_5 to %scan3A_7 step %scan3A_8  : i32 {
      %mul3A_11 = arith.constant 4 : i32
      %mul3A_12 = arith.muli %scan3A_10, %mul3A_11 : i32
      %add3A_13 = arith.addi %mul3A_4, %mul3A_12 : i32
      "tpu.region"() ({
        %run_scoped3A = tpu.sem_alloc : memref<!tpu.dma_semaphore, #tpu.memory_space<semaphore_mem>>
        %dma_start3A_95 = arith.constant 0 : i32
        %dma_start3A_96 = tpu.memref_slice %arg3[%add3A_13, %dma_start3A_95] : memref<3200x128xi32, #tpu.memory_space<hbm>> -> memref<4x128xi32, #tpu.memory_space<hbm>>
        %dma_start3A_97 = arith.constant 0 : i32
        %dma_start3A_98 = tpu.memref_slice %arg3[%add3A_13, %dma_start3A_97] : memref<3200x128xi32, #tpu.memory_space<hbm>> -> memref<4x128xi32, #tpu.memory_space<hbm>>
        tpu.enqueue_dma source(%dma_start3A_98 : memref<4x128xi32, #tpu.memory_space<hbm>>) target(%arg5 : memref<4x128xi32, #tpu.memory_space<vmem>>) target_semaphore(%run_scoped3A : memref<!tpu.dma_semaphore, #tpu.memory_space<semaphore_mem>>)
        %dma_wait3A_99 = arith.constant 0 : i32
        %dma_wait3A_100 = tpu.memref_slice %arg3[%add3A_13, %dma_wait3A_99] : memref<3200x128xi32, #tpu.memory_space<hbm>> -> memref<4x128xi32, #tpu.memory_space<hbm>>
        %dma_wait3A_101 = arith.constant 0 : i32
        %dma_wait3A_102 = tpu.memref_slice %arg3[%add3A_13, %dma_wait3A_101] : memref<3200x128xi32, #tpu.memory_space<hbm>> -> memref<4x128xi32, #tpu.memory_space<hbm>>
        tpu.wait_dma2 semaphore(%run_scoped3A : memref<!tpu.dma_semaphore, #tpu.memory_space<semaphore_mem>>) src(%dma_wait3A_102 : memref<4x128xi32, #tpu.memory_space<hbm>>) dst(%arg5 : memref<4x128xi32, #tpu.memory_space<vmem>>)
        tpu.yield
      }) : () -> ()
      %dma_start3A = arith.constant 0 : i32
      %dma_start3A_14 = arith.constant 0 : i32
      %dma_start3A_15 = arith.constant 0 : i32
      %dma_start3A_16 = tpu.memref_slice %arg6[%dma_start3A_14, %dma_start3A_15] : memref<512x32xf32, #tpu.memory_space<vmem>> -> memref<128x32xf32, #tpu.memory_space<vmem>>
      %dma_start3A_17 = arith.constant 0 : i32
      %dma_start3A_18 = tpu.memref_slice %arg5[%dma_start3A, %dma_start3A_17] : memref<4x128xi32, #tpu.memory_space<vmem>> -> memref<1x128xi32, #tpu.memory_space<vmem>>
      %dma_start3A_19 = tpu.memref_squeeze %dma_start3A_18 : memref<1x128xi32, #tpu.memory_space<vmem>> -> memref<128xi32, #tpu.memory_space<vmem>>
      %dma_start3A_20 = arith.constant 0 : i32
      %dma_start3A_21 = arith.constant 0 : i32
      %dma_start3A_22 = tpu.memref_slice %arg2[%dma_start3A_20, %dma_start3A_21] : memref<100000x32xf32, #tpu.memory_space<hbm>> -> memref<100000x32xf32, #tpu.memory_space<hbm>>
      tpu.enqueue_indirect_dma source(%dma_start3A_22 : memref<100000x32xf32, #tpu.memory_space<hbm>>) target(%dma_start3A_16 : memref<128x32xf32, #tpu.memory_space<vmem>>) offsets(%dma_start3A_19 : memref<128xi32, #tpu.memory_space<vmem>>) semaphore(%arg7 : memref<!tpu.dma_semaphore, #tpu.memory_space<semaphore_mem>>)
      %dma_start3A_23 = arith.constant 1 : i32
      %dma_start3A_24 = arith.constant 128 : i32
      %dma_start3A_25 = arith.constant 0 : i32
      %dma_start3A_26 = tpu.memref_slice %arg6[%dma_start3A_24, %dma_start3A_25] : memref<512x32xf32, #tpu.memory_space<vmem>> -> memref<128x32xf32, #tpu.memory_space<vmem>>
      %dma_start3A_27 = arith.constant 0 : i32
      %dma_start3A_28 = tpu.memref_slice %arg5[%dma_start3A_23, %dma_start3A_27] : memref<4x128xi32, #tpu.memory_space<vmem>> -> memref<1x128xi32, #tpu.memory_space<vmem>>
      %dma_start3A_29 = tpu.memref_squeeze %dma_start3A_28 : memref<1x128xi32, #tpu.memory_space<vmem>> -> memref<128xi32, #tpu.memory_space<vmem>>
      %dma_start3A_30 = arith.constant 0 : i32
      %dma_start3A_31 = arith.constant 0 : i32
      %dma_start3A_32 = tpu.memref_slice %arg2[%dma_start3A_30, %dma_start3A_31] : memref<100000x32xf32, #tpu.memory_space<hbm>> -> memref<100000x32xf32, #tpu.memory_space<hbm>>
      tpu.enqueue_indirect_dma source(%dma_start3A_32 : memref<100000x32xf32, #tpu.memory_space<hbm>>) target(%dma_start3A_26 : memref<128x32xf32, #tpu.memory_space<vmem>>) offsets(%dma_start3A_29 : memref<128xi32, #tpu.memory_space<vmem>>) semaphore(%arg7 : memref<!tpu.dma_semaphore, #tpu.memory_space<semaphore_mem>>)
      %dma_start3A_33 = arith.constant 2 : i32
      %dma_start3A_34 = arith.constant 256 : i32
      %dma_start3A_35 = arith.constant 0 : i32
      %dma_start3A_36 = tpu.memref_slice %arg6[%dma_start3A_34, %dma_start3A_35] : memref<512x32xf32, #tpu.memory_space<vmem>> -> memref<128x32xf32, #tpu.memory_space<vmem>>
      %dma_start3A_37 = arith.constant 0 : i32
      %dma_start3A_38 = tpu.memref_slice %arg5[%dma_start3A_33, %dma_start3A_37] : memref<4x128xi32, #tpu.memory_space<vmem>> -> memref<1x128xi32, #tpu.memory_space<vmem>>
      %dma_start3A_39 = tpu.memref_squeeze %dma_start3A_38 : memref<1x128xi32, #tpu.memory_space<vmem>> -> memref<128xi32, #tpu.memory_space<vmem>>
      %dma_start3A_40 = arith.constant 0 : i32
      %dma_start3A_41 = arith.constant 0 : i32
      %dma_start3A_42 = tpu.memref_slice %arg2[%dma_start3A_40, %dma_start3A_41] : memref<100000x32xf32, #tpu.memory_space<hbm>> -> memref<100000x32xf32, #tpu.memory_space<hbm>>
      tpu.enqueue_indirect_dma source(%dma_start3A_42 : memref<100000x32xf32, #tpu.memory_space<hbm>>) target(%dma_start3A_36 : memref<128x32xf32, #tpu.memory_space<vmem>>) offsets(%dma_start3A_39 : memref<128xi32, #tpu.memory_space<vmem>>) semaphore(%arg7 : memref<!tpu.dma_semaphore, #tpu.memory_space<semaphore_mem>>)
      %dma_start3A_43 = arith.constant 3 : i32
      %dma_start3A_44 = arith.constant 384 : i32
      %dma_start3A_45 = arith.constant 0 : i32
      %dma_start3A_46 = tpu.memref_slice %arg6[%dma_start3A_44, %dma_start3A_45] : memref<512x32xf32, #tpu.memory_space<vmem>> -> memref<128x32xf32, #tpu.memory_space<vmem>>
      %dma_start3A_47 = arith.constant 0 : i32
      %dma_start3A_48 = tpu.memref_slice %arg5[%dma_start3A_43, %dma_start3A_47] : memref<4x128xi32, #tpu.memory_space<vmem>> -> memref<1x128xi32, #tpu.memory_space<vmem>>
      %dma_start3A_49 = tpu.memref_squeeze %dma_start3A_48 : memref<1x128xi32, #tpu.memory_space<vmem>> -> memref<128xi32, #tpu.memory_space<vmem>>
      %dma_start3A_50 = arith.constant 0 : i32
      %dma_start3A_51 = arith.constant 0 : i32
      %dma_start3A_52 = tpu.memref_slice %arg2[%dma_start3A_50, %dma_start3A_51] : memref<100000x32xf32, #tpu.memory_space<hbm>> -> memref<100000x32xf32, #tpu.memory_space<hbm>>
      tpu.enqueue_indirect_dma source(%dma_start3A_52 : memref<100000x32xf32, #tpu.memory_space<hbm>>) target(%dma_start3A_46 : memref<128x32xf32, #tpu.memory_space<vmem>>) offsets(%dma_start3A_49 : memref<128xi32, #tpu.memory_space<vmem>>) semaphore(%arg7 : memref<!tpu.dma_semaphore, #tpu.memory_space<semaphore_mem>>)
      %dma_wait3A = arith.constant 0 : i32
      %dma_wait3A_53 = arith.constant 0 : i32
      %dma_wait3A_54 = arith.constant 0 : i32
      %dma_wait3A_55 = tpu.memref_slice %arg6[%dma_wait3A_53, %dma_wait3A_54] : memref<512x32xf32, #tpu.memory_space<vmem>> -> memref<128x32xf32, #tpu.memory_space<vmem>>
      %dma_wait3A_56 = arith.constant 0 : i32
      %dma_wait3A_57 = tpu.memref_slice %arg5[%dma_wait3A, %dma_wait3A_56] : memref<4x128xi32, #tpu.memory_space<vmem>> -> memref<1x128xi32, #tpu.memory_space<vmem>>
      %dma_wait3A_58 = tpu.memref_squeeze %dma_wait3A_57 : memref<1x128xi32, #tpu.memory_space<vmem>> -> memref<128xi32, #tpu.memory_space<vmem>>
      %dma_wait3A_59 = arith.constant 0 : i32
      %dma_wait3A_60 = arith.constant 0 : i32
      %dma_wait3A_61 = tpu.memref_slice %arg2[%dma_wait3A_59, %dma_wait3A_60] : memref<100000x32xf32, #tpu.memory_space<hbm>> -> memref<100000x32xf32, #tpu.memory_space<hbm>>
      tpu.wait_indirect_dma semaphore(%arg7 : memref<!tpu.dma_semaphore, #tpu.memory_space<semaphore_mem>>) src(%dma_wait3A_61 : memref<100000x32xf32, #tpu.memory_space<hbm>>) dst(%dma_wait3A_55 : memref<128x32xf32, #tpu.memory_space<vmem>>)
      %dma_wait3A_62 = arith.constant 1 : i32
      %dma_wait3A_63 = arith.constant 128 : i32
      %dma_wait3A_64 = arith.constant 0 : i32
      %dma_wait3A_65 = tpu.memref_slice %arg6[%dma_wait3A_63, %dma_wait3A_64] : memref<512x32xf32, #tpu.memory_space<vmem>> -> memref<128x32xf32, #tpu.memory_space<vmem>>
      %dma_wait3A_66 = arith.constant 0 : i32
      %dma_wait3A_67 = tpu.memref_slice %arg5[%dma_wait3A_62, %dma_wait3A_66] : memref<4x128xi32, #tpu.memory_space<vmem>> -> memref<1x128xi32, #tpu.memory_space<vmem>>
      %dma_wait3A_68 = tpu.memref_squeeze %dma_wait3A_67 : memref<1x128xi32, #tpu.memory_space<vmem>> -> memref<128xi32, #tpu.memory_space<vmem>>
      %dma_wait3A_69 = arith.constant 0 : i32
      %dma_wait3A_70 = arith.constant 0 : i32
      %dma_wait3A_71 = tpu.memref_slice %arg2[%dma_wait3A_69, %dma_wait3A_70] : memref<100000x32xf32, #tpu.memory_space<hbm>> -> memref<100000x32xf32, #tpu.memory_space<hbm>>
      tpu.wait_indirect_dma semaphore(%arg7 : memref<!tpu.dma_semaphore, #tpu.memory_space<semaphore_mem>>) src(%dma_wait3A_71 : memref<100000x32xf32, #tpu.memory_space<hbm>>) dst(%dma_wait3A_65 : memref<128x32xf32, #tpu.memory_space<vmem>>)
      %dma_wait3A_72 = arith.constant 2 : i32
      %dma_wait3A_73 = arith.constant 256 : i32
      %dma_wait3A_74 = arith.constant 0 : i32
      %dma_wait3A_75 = tpu.memref_slice %arg6[%dma_wait3A_73, %dma_wait3A_74] : memref<512x32xf32, #tpu.memory_space<vmem>> -> memref<128x32xf32, #tpu.memory_space<vmem>>
      %dma_wait3A_76 = arith.constant 0 : i32
      %dma_wait3A_77 = tpu.memref_slice %arg5[%dma_wait3A_72, %dma_wait3A_76] : memref<4x128xi32, #tpu.memory_space<vmem>> -> memref<1x128xi32, #tpu.memory_space<vmem>>
      %dma_wait3A_78 = tpu.memref_squeeze %dma_wait3A_77 : memref<1x128xi32, #tpu.memory_space<vmem>> -> memref<128xi32, #tpu.memory_space<vmem>>
      %dma_wait3A_79 = arith.constant 0 : i32
      %dma_wait3A_80 = arith.constant 0 : i32
      %dma_wait3A_81 = tpu.memref_slice %arg2[%dma_wait3A_79, %dma_wait3A_80] : memref<100000x32xf32, #tpu.memory_space<hbm>> -> memref<100000x32xf32, #tpu.memory_space<hbm>>
      tpu.wait_indirect_dma semaphore(%arg7 : memref<!tpu.dma_semaphore, #tpu.memory_space<semaphore_mem>>) src(%dma_wait3A_81 : memref<100000x32xf32, #tpu.memory_space<hbm>>) dst(%dma_wait3A_75 : memref<128x32xf32, #tpu.memory_space<vmem>>)
      %dma_wait3A_82 = arith.constant 3 : i32
      %dma_wait3A_83 = arith.constant 384 : i32
      %dma_wait3A_84 = arith.constant 0 : i32
      %dma_wait3A_85 = tpu.memref_slice %arg6[%dma_wait3A_83, %dma_wait3A_84] : memref<512x32xf32, #tpu.memory_space<vmem>> -> memref<128x32xf32, #tpu.memory_space<vmem>>
      %dma_wait3A_86 = arith.constant 0 : i32
      %dma_wait3A_87 = tpu.memref_slice %arg5[%dma_wait3A_82, %dma_wait3A_86] : memref<4x128xi32, #tpu.memory_space<vmem>> -> memref<1x128xi32, #tpu.memory_space<vmem>>
      %dma_wait3A_88 = tpu.memref_squeeze %dma_wait3A_87 : memref<1x128xi32, #tpu.memory_space<vmem>> -> memref<128xi32, #tpu.memory_space<vmem>>
      %dma_wait3A_89 = arith.constant 0 : i32
      %dma_wait3A_90 = arith.constant 0 : i32
      %dma_wait3A_91 = tpu.memref_slice %arg2[%dma_wait3A_89, %dma_wait3A_90] : memref<100000x32xf32, #tpu.memory_space<hbm>> -> memref<100000x32xf32, #tpu.memory_space<hbm>>
      tpu.wait_indirect_dma semaphore(%arg7 : memref<!tpu.dma_semaphore, #tpu.memory_space<semaphore_mem>>) src(%dma_wait3A_91 : memref<100000x32xf32, #tpu.memory_space<hbm>>) dst(%dma_wait3A_85 : memref<128x32xf32, #tpu.memory_space<vmem>>)
      %mul3A_92 = arith.constant 512 : i32
      %mul3A_93 = arith.muli %scan3A_10, %mul3A_92 : i32
      %add3A_94 = arith.addi %mul3A_2, %mul3A_93 : i32
      "tpu.region"() ({
        %run_scoped3A = tpu.sem_alloc : memref<!tpu.dma_semaphore, #tpu.memory_space<semaphore_mem>>
        %dma_start3A_95 = arith.constant 0 : i32
        %dma_start3A_96 = tpu.memref_slice %arg4[%add3A_94, %dma_start3A_95] : memref<409600x32xf32, #tpu.memory_space<hbm>> -> memref<512x32xf32, #tpu.memory_space<hbm>>
        %dma_start3A_97 = arith.constant 0 : i32
        %dma_start3A_98 = tpu.memref_slice %arg4[%add3A_94, %dma_start3A_97] : memref<409600x32xf32, #tpu.memory_space<hbm>> -> memref<512x32xf32, #tpu.memory_space<hbm>>
        tpu.enqueue_dma source(%arg6 : memref<512x32xf32, #tpu.memory_space<vmem>>) target(%dma_start3A_98 : memref<512x32xf32, #tpu.memory_space<hbm>>) target_semaphore(%run_scoped3A : memref<!tpu.dma_semaphore, #tpu.memory_space<semaphore_mem>>)
        %dma_wait3A_99 = arith.constant 0 : i32
        %dma_wait3A_100 = tpu.memref_slice %arg4[%add3A_94, %dma_wait3A_99] : memref<409600x32xf32, #tpu.memory_space<hbm>> -> memref<512x32xf32, #tpu.memory_space<hbm>>
        %dma_wait3A_101 = arith.constant 0 : i32
        %dma_wait3A_102 = tpu.memref_slice %arg4[%add3A_94, %dma_wait3A_101] : memref<409600x32xf32, #tpu.memory_space<hbm>> -> memref<512x32xf32, #tpu.memory_space<hbm>>
        tpu.wait_dma2 semaphore(%run_scoped3A : memref<!tpu.dma_semaphore, #tpu.memory_space<semaphore_mem>>) src(%arg6 : memref<512x32xf32, #tpu.memory_space<vmem>>) dst(%dma_wait3A_102 : memref<512x32xf32, #tpu.memory_space<hbm>>)
        tpu.yield
      }) : () -> ()
    }
    %scan3A_9 = arith.constant 25 : i32
    return
  }
}

module attributes {stable_mosaic.version = 14 : i64} {
  func.func @_tc_body(%arg0: i32, %arg1: memref<6400x32xf32, #tpu.memory_space<vmem>>, %arg2: memref<1x5x1280xi32, #tpu.memory_space<vmem>>, %arg3: memref<1x5x1280xi32, #tpu.memory_space<vmem>>, %arg4: memref<1x5x1280xi32, #tpu.memory_space<vmem>>, %arg5: memref<1x5x1280xi32, #tpu.memory_space<vmem>>, %arg6: memref<1x5x1280xf32, #tpu.memory_space<vmem>>, %arg7: memref<1x5x1280xi32, #tpu.memory_space<vmem>>, %arg8: memref<1x5x1280xf32, #tpu.memory_space<vmem>>, %arg9: memref<1x5x1280xf32, #tpu.memory_space<vmem>>, %arg10: memref<1x5x1280xf32, #tpu.memory_space<vmem>>, %arg11: memref<68x64xf32, #tpu.memory_space<vmem>>, %arg12: memref<32x64xf32, #tpu.memory_space<vmem>>, %arg13: memref<32x1xf32, #tpu.memory_space<vmem>>, %arg14: memref<32x2xf32, #tpu.memory_space<vmem>>, %arg15: memref<1x64xf32, #tpu.memory_space<vmem>>, %arg16: memref<1x64xf32, #tpu.memory_space<vmem>>, %arg17: memref<32x200x64xf32, #tpu.memory_space<vmem>>) attributes {dimension_semantics = [#tpu.dimension_semantics<arbitrary>], iteration_bounds = array<i64: 64>, scalar_prefetch = 0 : i64, scratch_operands = 0 : i64, tpu.core_type = #tpu.core_type<tc>, window_params = [{transform_indices = @transform_0, window_bounds = array<i64: 6400, 32>}, {transform_indices = @transform_1, window_bounds = array<i64: 1, 5, 1280>}, {transform_indices = @transform_2, window_bounds = array<i64: 1, 5, 1280>}, {transform_indices = @transform_3, window_bounds = array<i64: 1, 5, 1280>}, {transform_indices = @transform_4, window_bounds = array<i64: 1, 5, 1280>}, {transform_indices = @transform_5, window_bounds = array<i64: 1, 5, 1280>}, {transform_indices = @transform_6, window_bounds = array<i64: 1, 5, 1280>}, {transform_indices = @transform_7, window_bounds = array<i64: 1, 5, 1280>}, {transform_indices = @transform_8, window_bounds = array<i64: 1, 5, 1280>}, {transform_indices = @transform_9, window_bounds = array<i64: 1, 5, 1280>}, {pipeline_mode = #tpu.pipeline_mode<synchronous>, transform_indices = @transform_10, window_bounds = array<i64: 68, 64>}, {pipeline_mode = #tpu.pipeline_mode<synchronous>, transform_indices = @transform_11, window_bounds = array<i64: 32, 64>}, {pipeline_mode = #tpu.pipeline_mode<synchronous>, transform_indices = @transform_12, window_bounds = array<i64: 32, 1>}, {pipeline_mode = #tpu.pipeline_mode<synchronous>, transform_indices = @transform_13, window_bounds = array<i64: 32, 2>}, {pipeline_mode = #tpu.pipeline_mode<synchronous>, transform_indices = @transform_14, window_bounds = array<i64: 1, 64>}, {pipeline_mode = #tpu.pipeline_mode<synchronous>, transform_indices = @transform_15, window_bounds = array<i64: 1, 64>}, {transform_indices = @transform_16, window_bounds = array<i64: 32, 200, 64>}]} {
    %get3A = arith.constant 0 : index
    %get3A_0 = arith.constant 0 : index
    %get3A_1 = vector.load %arg1[%get3A, %get3A_0] : memref<6400x32xf32, #tpu.memory_space<vmem>>, vector<6400x32xf32>
    %convert_element_type3A = arith.truncf %get3A_1 : vector<6400x32xf32> to vector<6400x32xbf16>
    %get3A_2 = arith.constant 0 : index
    %get3A_3 = arith.constant 0 : index
    %get3A_4 = vector.load %arg11[%get3A_2, %get3A_3] : memref<68x64xf32, #tpu.memory_space<vmem>>, vector<68x64xf32>
    %convert_element_type3A_5 = arith.truncf %get3A_4 : vector<68x64xf32> to vector<68x64xbf16>
    %get3A_6 = arith.constant 0 : index
    %get3A_7 = arith.constant 0 : index
    %get3A_8 = vector.load %arg12[%get3A_6, %get3A_7] : memref<32x64xf32, #tpu.memory_space<vmem>>, vector<32x64xf32>
    %convert_element_type3A_9 = arith.truncf %get3A_8 : vector<32x64xf32> to vector<32x64xbf16>
    %iota3A = tpu.iota {dimensions = array<i32: 0>} : vector<32x1280xi32>
    %get3A_10 = arith.constant 0 : index
    %get3A_11 = arith.constant 0 : index
    %get3A_12 = arith.constant 0 : index
    %get3A_13 = vector.load %arg2[%get3A_10, %get3A_11, %get3A_12] : memref<1x5x1280xi32, #tpu.memory_space<vmem>>, vector<1x1x1280xi32>
    %get3A_14 = vector.shape_cast %get3A_13 : vector<1x1x1280xi32> to vector<1x1280xi32>
    %get3A_15 = arith.constant 0 : index
    %get3A_16 = arith.constant 0 : index
    %get3A_17 = arith.constant 0 : index
    %get3A_18 = vector.load %arg3[%get3A_15, %get3A_16, %get3A_17] : memref<1x5x1280xi32, #tpu.memory_space<vmem>>, vector<1x1x1280xi32>
    %get3A_19 = vector.shape_cast %get3A_18 : vector<1x1x1280xi32> to vector<1x1280xi32>
    %get3A_20 = arith.constant 0 : index
    %get3A_21 = arith.constant 0 : index
    %get3A_22 = arith.constant 0 : index
    %get3A_23 = vector.load %arg4[%get3A_20, %get3A_21, %get3A_22] : memref<1x5x1280xi32, #tpu.memory_space<vmem>>, vector<1x1x1280xi32>
    %get3A_24 = vector.shape_cast %get3A_23 : vector<1x1x1280xi32> to vector<1x1280xi32>
    %get3A_25 = arith.constant 0 : index
    %get3A_26 = arith.constant 0 : index
    %get3A_27 = arith.constant 0 : index
    %get3A_28 = vector.load %arg5[%get3A_25, %get3A_26, %get3A_27] : memref<1x5x1280xi32, #tpu.memory_space<vmem>>, vector<1x1x1280xi32>
    %get3A_29 = vector.shape_cast %get3A_28 : vector<1x1x1280xi32> to vector<1x1280xi32>
    %eq3A = vector.broadcast %get3A_14 : vector<1x1280xi32> to vector<32x1280xi32>
    %eq3A_30 = arith.cmpi eq, %eq3A, %iota3A : vector<32x1280xi32>
    %jit3A = arith.constant 1.000000e+00 : f32
    %jit3A_31 = arith.constant 0.000000e+00 : f32
    %broadcast_in_dim3A = vector.broadcast %jit3A : f32 to vector<32x1280xf32>
    %broadcast_in_dim3A_32 = vector.broadcast %jit3A_31 : f32 to vector<32x1280xf32>
    %select_n3A = arith.select %eq3A_30, %broadcast_in_dim3A, %broadcast_in_dim3A_32 : vector<32x1280xi1>, vector<32x1280xf32>
    %add3A = arith.constant 6 : i32
    %add3A_33 = vector.broadcast %add3A : i32 to vector<1x1280xi32>
    %add3A_34 = arith.addi %get3A_19, %add3A_33 : vector<1x1280xi32>
    %eq3A_35 = vector.broadcast %add3A_34 : vector<1x1280xi32> to vector<32x1280xi32>
    %eq3A_36 = arith.cmpi eq, %eq3A_35, %iota3A : vector<32x1280xi32>
    %jit3A_37 = arith.constant 1.000000e+00 : f32
    %jit3A_38 = arith.constant 0.000000e+00 : f32
    %broadcast_in_dim3A_39 = vector.broadcast %jit3A_37 : f32 to vector<32x1280xf32>
    %broadcast_in_dim3A_40 = vector.broadcast %jit3A_38 : f32 to vector<32x1280xf32>
    %select_n3A_41 = arith.select %eq3A_36, %broadcast_in_dim3A_39, %broadcast_in_dim3A_40 : vector<32x1280xi1>, vector<32x1280xf32>
    %add3A_42 = arith.addf %select_n3A, %select_n3A_41 : vector<32x1280xf32>
    %add3A_43 = arith.constant 14 : i32
    %add3A_44 = vector.broadcast %add3A_43 : i32 to vector<1x1280xi32>
    %add3A_45 = arith.addi %get3A_24, %add3A_44 : vector<1x1280xi32>
    %eq3A_46 = vector.broadcast %add3A_45 : vector<1x1280xi32> to vector<32x1280xi32>
    %eq3A_47 = arith.cmpi eq, %eq3A_46, %iota3A : vector<32x1280xi32>
    %jit3A_48 = arith.constant 1.000000e+00 : f32
    %jit3A_49 = arith.constant 0.000000e+00 : f32
    %broadcast_in_dim3A_50 = vector.broadcast %jit3A_48 : f32 to vector<32x1280xf32>
    %broadcast_in_dim3A_51 = vector.broadcast %jit3A_49 : f32 to vector<32x1280xf32>
    %select_n3A_52 = arith.select %eq3A_47, %broadcast_in_dim3A_50, %broadcast_in_dim3A_51 : vector<32x1280xi1>, vector<32x1280xf32>
    %add3A_53 = arith.addf %add3A_42, %select_n3A_52 : vector<32x1280xf32>
    %add3A_54 = arith.constant 20 : i32
    %add3A_55 = vector.broadcast %add3A_54 : i32 to vector<1x1280xi32>
    %add3A_56 = arith.addi %get3A_29, %add3A_55 : vector<1x1280xi32>
    %eq3A_57 = vector.broadcast %add3A_56 : vector<1x1280xi32> to vector<32x1280xi32>
    %eq3A_58 = arith.cmpi eq, %eq3A_57, %iota3A : vector<32x1280xi32>
    %jit3A_59 = arith.constant 1.000000e+00 : f32
    %jit3A_60 = arith.constant 0.000000e+00 : f32
    %broadcast_in_dim3A_61 = vector.broadcast %jit3A_59 : f32 to vector<32x1280xf32>
    %broadcast_in_dim3A_62 = vector.broadcast %jit3A_60 : f32 to vector<32x1280xf32>
    %select_n3A_63 = arith.select %eq3A_58, %broadcast_in_dim3A_61, %broadcast_in_dim3A_62 : vector<32x1280xi1>, vector<32x1280xf32>
    %add3A_64 = arith.addf %add3A_53, %select_n3A_63 : vector<32x1280xf32>
    %get3A_65 = arith.constant 0 : index
    %get3A_66 = arith.constant 0 : index
    %get3A_67 = arith.constant 0 : index
    %get3A_68 = vector.load %arg7[%get3A_65, %get3A_66, %get3A_67] : memref<1x5x1280xi32, #tpu.memory_space<vmem>>, vector<1x1x1280xi32>
    %get3A_69 = vector.shape_cast %get3A_68 : vector<1x1x1280xi32> to vector<1x1280xi32>
    %abs3A = math.absi %get3A_69 : vector<1x1280xi32>
    %jit3A_70 = arith.constant 0 : i32
    %jit3A_71 = arith.constant 364 : i32
    %max3A = vector.broadcast %jit3A_70 : i32 to vector<1x1280xi32>
    %max3A_72 = arith.maxsi %max3A, %abs3A : vector<1x1280xi32>
    %min3A = vector.broadcast %jit3A_71 : i32 to vector<1x1280xi32>
    %min3A_73 = arith.minsi %min3A, %max3A_72 : vector<1x1280xi32>
    %convert_element_type3A_74 = arith.sitofp %min3A_73 : vector<1x1280xi32> to vector<1x1280xf32>
    %get3A_75 = arith.constant 0 : index
    %get3A_76 = arith.constant 0 : index
    %get3A_77 = vector.load %arg14[%get3A_75, %get3A_76] : memref<32x2xf32, #tpu.memory_space<vmem>>, vector<32x1xf32>
    %mul3A = vector.broadcast %convert_element_type3A_74 : vector<1x1280xf32> to vector<32x1280xf32>
    %mul3A_78 = vector.broadcast %get3A_77 : vector<32x1xf32> to vector<32x1280xf32>
    %mul3A_79 = arith.mulf %mul3A, %mul3A_78 : vector<32x1280xf32>
    %get3A_80 = arith.constant 0 : index
    %get3A_81 = arith.constant 1 : index
    %get3A_82 = vector.load %arg14[%get3A_80, %get3A_81] : memref<32x2xf32, #tpu.memory_space<vmem>>, vector<32x1xf32>
    %add3A_83 = vector.broadcast %get3A_82 : vector<32x1xf32> to vector<32x1280xf32>
    %add3A_84 = arith.addf %mul3A_79, %add3A_83 : vector<32x1280xf32>
    %sin3A = math.sin %add3A_84 : vector<32x1280xf32>
    %get3A_85 = arith.constant 0 : index
    %get3A_86 = arith.constant 0 : index
    %get3A_87 = arith.constant 0 : index
    %get3A_88 = vector.load %arg6[%get3A_85, %get3A_86, %get3A_87] : memref<1x5x1280xf32, #tpu.memory_space<vmem>>, vector<1x1x1280xf32>
    %get3A_89 = vector.shape_cast %get3A_88 : vector<1x1x1280xf32> to vector<1x1280xf32>
    %get3A_90 = arith.constant 0 : index
    %get3A_91 = arith.constant 0 : index
    %get3A_92 = vector.load %arg13[%get3A_90, %get3A_91] : memref<32x1xf32, #tpu.memory_space<vmem>>, vector<32x1xf32>
    %mul3A_93 = vector.broadcast %get3A_89 : vector<1x1280xf32> to vector<32x1280xf32>
    %mul3A_94 = vector.broadcast %get3A_92 : vector<32x1xf32> to vector<32x1280xf32>
    %mul3A_95 = arith.mulf %mul3A_93, %mul3A_94 : vector<32x1280xf32>
    %add3A_96 = arith.addf %sin3A, %mul3A_95 : vector<32x1280xf32>
    %get3A_97 = arith.constant 0 : index
    %get3A_98 = arith.constant 0 : index
    %get3A_99 = arith.constant 0 : index
    %get3A_100 = vector.load %arg8[%get3A_97, %get3A_98, %get3A_99] : memref<1x5x1280xf32, #tpu.memory_space<vmem>>, vector<1x1x1280xf32>
    %get3A_101 = vector.shape_cast %get3A_100 : vector<1x1x1280xf32> to vector<1x1280xf32>
    %get3A_102 = arith.constant 0 : index
    %get3A_103 = arith.constant 0 : index
    %get3A_104 = arith.constant 0 : index
    %get3A_105 = vector.load %arg9[%get3A_102, %get3A_103, %get3A_104] : memref<1x5x1280xf32, #tpu.memory_space<vmem>>, vector<1x1x1280xf32>
    %get3A_106 = vector.shape_cast %get3A_105 : vector<1x1x1280xf32> to vector<1x1280xf32>
    %get3A_107 = arith.constant 0 : index
    %get3A_108 = arith.constant 0 : index
    %get3A_109 = arith.constant 0 : index
    %get3A_110 = vector.load %arg10[%get3A_107, %get3A_108, %get3A_109] : memref<1x5x1280xf32, #tpu.memory_space<vmem>>, vector<1x1x1280xf32>
    %get3A_111 = vector.shape_cast %get3A_110 : vector<1x1x1280xf32> to vector<1x1280xf32>
    %broadcast_in_dim3A_112 = arith.constant 1.000000e+00 : f32
    %broadcast_in_dim3A_113 = vector.broadcast %broadcast_in_dim3A_112 : f32 to vector<1x1280xf32>
    %concatenate3A = tpu.concatenate %add3A_64, %add3A_96, %get3A_101, %get3A_106, %get3A_111, %broadcast_in_dim3A_113 in 0 : vector<32x1280xf32>, vector<32x1280xf32>, vector<1x1280xf32>, vector<1x1280xf32>, vector<1x1280xf32>, vector<1x1280xf32> -> vector<68x1280xf32>
    %convert_element_type3A_114 = arith.truncf %concatenate3A : vector<68x1280xf32> to vector<68x1280xbf16>
    %dot_general3A = arith.constant dense<0.000000e+00> : vector<1280x64xf32>
    %dot_general3A_115 = tpu.matmul %convert_element_type3A_114, %convert_element_type3A_5, %dot_general3A {dimension_numbers = #tpu.dot_dimension_numbers<[0], [0], [1], [1], [0, 1, 1, 1], [], []>, transpose_lhs_hint = false} : vector<68x1280xbf16>, vector<68x64xbf16>, vector<1280x64xf32> -> vector<1280x64xf32>
    %slice3A = vector.extract_strided_slice %convert_element_type3A {offsets = [0, 0], sizes = [1280, 32], strides = [1, 1]} : vector<6400x32xbf16> to vector<1280x32xbf16>
    %dot_general3A_116 = arith.constant dense<0.000000e+00> : vector<1280x64xf32>
    %dot_general3A_117 = tpu.matmul %slice3A, %convert_element_type3A_9, %dot_general3A_116 {dimension_numbers = #tpu.dot_dimension_numbers<[1], [0], [0], [1], [0, 0, 1, 1], [], []>, transpose_lhs_hint = false} : vector<1280x32xbf16>, vector<32x64xbf16>, vector<1280x64xf32> -> vector<1280x64xf32>
    %add3A_118 = arith.addf %dot_general3A_115, %dot_general3A_117 : vector<1280x64xf32>
    %reduce_sum3A = arith.constant dense<0.000000e+00> : vector<1280xf32>
    %reduce_sum3A_119 = vector.multi_reduction <add>, %add3A_118, %reduce_sum3A [1] : vector<1280x64xf32> to vector<1280xf32>
    %broadcast_in_dim3A_120 = vector.shape_cast %reduce_sum3A_119 : vector<1280xf32> to vector<1280x1xf32>
    %div3A = arith.constant 6.400000e+01 : f32
    %div3A_121 = vector.broadcast %div3A : f32 to vector<1280x1xf32>
    %div3A_122 = arith.divf %broadcast_in_dim3A_120, %div3A_121 : vector<1280x1xf32>
    %sub3A = vector.broadcast %div3A_122 : vector<1280x1xf32> to vector<1280x64xf32>
    %sub3A_123 = arith.subf %add3A_118, %sub3A : vector<1280x64xf32>
    %mul3A_124 = arith.mulf %sub3A_123, %sub3A_123 : vector<1280x64xf32>
    %reduce_sum3A_125 = arith.constant dense<0.000000e+00> : vector<1280xf32>
    %reduce_sum3A_126 = vector.multi_reduction <add>, %mul3A_124, %reduce_sum3A_125 [1] : vector<1280x64xf32> to vector<1280xf32>
    %broadcast_in_dim3A_127 = vector.shape_cast %reduce_sum3A_126 : vector<1280xf32> to vector<1280x1xf32>
    %div3A_128 = arith.constant 6.400000e+01 : f32
    %div3A_129 = vector.broadcast %div3A_128 : f32 to vector<1280x1xf32>
    %div3A_130 = arith.divf %broadcast_in_dim3A_127, %div3A_129 : vector<1280x1xf32>
    %add3A_131 = arith.constant 9.99999974E-6 : f32
    %add3A_132 = vector.broadcast %add3A_131 : f32 to vector<1280x1xf32>
    %add3A_133 = arith.addf %div3A_130, %add3A_132 : vector<1280x1xf32>
    %rsqrt3A = math.rsqrt %add3A_133 : vector<1280x1xf32>
    %mul3A_134 = vector.broadcast %rsqrt3A : vector<1280x1xf32> to vector<1280x64xf32>
    %mul3A_135 = arith.mulf %sub3A_123, %mul3A_134 : vector<1280x64xf32>
    %get3A_136 = arith.constant 0 : index
    %get3A_137 = arith.constant 0 : index
    %get3A_138 = vector.load %arg15[%get3A_136, %get3A_137] : memref<1x64xf32, #tpu.memory_space<vmem>>, vector<1x64xf32>
    %mul3A_139 = vector.broadcast %get3A_138 : vector<1x64xf32> to vector<1280x64xf32>
    %mul3A_140 = arith.mulf %mul3A_135, %mul3A_139 : vector<1280x64xf32>
    %get3A_141 = arith.constant 0 : index
    %get3A_142 = arith.constant 0 : index
    %get3A_143 = vector.load %arg16[%get3A_141, %get3A_142] : memref<1x64xf32, #tpu.memory_space<vmem>>, vector<1x64xf32>
    %add3A_144 = vector.broadcast %get3A_143 : vector<1x64xf32> to vector<1280x64xf32>
    %add3A_145 = arith.addf %mul3A_140, %add3A_144 : vector<1280x64xf32>
    %get3A_146 = arith.constant 0 : index
    %get3A_147 = arith.constant 1 : index
    %get3A_148 = arith.constant 0 : index
    %get3A_149 = vector.load %arg2[%get3A_146, %get3A_147, %get3A_148] : memref<1x5x1280xi32, #tpu.memory_space<vmem>>, vector<1x1x1280xi32>
    %get3A_150 = vector.shape_cast %get3A_149 : vector<1x1x1280xi32> to vector<1x1280xi32>
    %get3A_151 = arith.constant 0 : index
    %get3A_152 = arith.constant 1 : index
    %get3A_153 = arith.constant 0 : index
    %get3A_154 = vector.load %arg3[%get3A_151, %get3A_152, %get3A_153] : memref<1x5x1280xi32, #tpu.memory_space<vmem>>, vector<1x1x1280xi32>
    %get3A_155 = vector.shape_cast %get3A_154 : vector<1x1x1280xi32> to vector<1x1280xi32>
    %get3A_156 = arith.constant 0 : index
    %get3A_157 = arith.constant 1 : index
    %get3A_158 = arith.constant 0 : index
    %get3A_159 = vector.load %arg4[%get3A_156, %get3A_157, %get3A_158] : memref<1x5x1280xi32, #tpu.memory_space<vmem>>, vector<1x1x1280xi32>
    %get3A_160 = vector.shape_cast %get3A_159 : vector<1x1x1280xi32> to vector<1x1280xi32>
    %get3A_161 = arith.constant 0 : index
    %get3A_162 = arith.constant 1 : index
    %get3A_163 = arith.constant 0 : index
    %get3A_164 = vector.load %arg5[%get3A_161, %get3A_162, %get3A_163] : memref<1x5x1280xi32, #tpu.memory_space<vmem>>, vector<1x1x1280xi32>
    %get3A_165 = vector.shape_cast %get3A_164 : vector<1x1x1280xi32> to vector<1x1280xi32>
    %eq3A_166 = vector.broadcast %get3A_150 : vector<1x1280xi32> to vector<32x1280xi32>
    %eq3A_167 = arith.cmpi eq, %eq3A_166, %iota3A : vector<32x1280xi32>
    %jit3A_168 = arith.constant 1.000000e+00 : f32
    %jit3A_169 = arith.constant 0.000000e+00 : f32
    %broadcast_in_dim3A_170 = vector.broadcast %jit3A_168 : f32 to vector<32x1280xf32>
    %broadcast_in_dim3A_171 = vector.broadcast %jit3A_169 : f32 to vector<32x1280xf32>
    %select_n3A_172 = arith.select %eq3A_167, %broadcast_in_dim3A_170, %broadcast_in_dim3A_171 : vector<32x1280xi1>, vector<32x1280xf32>
    %add3A_173 = arith.constant 6 : i32
    %add3A_174 = vector.broadcast %add3A_173 : i32 to vector<1x1280xi32>
    %add3A_175 = arith.addi %get3A_155, %add3A_174 : vector<1x1280xi32>
    %eq3A_176 = vector.broadcast %add3A_175 : vector<1x1280xi32> to vector<32x1280xi32>
    %eq3A_177 = arith.cmpi eq, %eq3A_176, %iota3A : vector<32x1280xi32>
    %jit3A_178 = arith.constant 1.000000e+00 : f32
    %jit3A_179 = arith.constant 0.000000e+00 : f32
    %broadcast_in_dim3A_180 = vector.broadcast %jit3A_178 : f32 to vector<32x1280xf32>
    %broadcast_in_dim3A_181 = vector.broadcast %jit3A_179 : f32 to vector<32x1280xf32>
    %select_n3A_182 = arith.select %eq3A_177, %broadcast_in_dim3A_180, %broadcast_in_dim3A_181 : vector<32x1280xi1>, vector<32x1280xf32>
    %add3A_183 = arith.addf %select_n3A_172, %select_n3A_182 : vector<32x1280xf32>
    %add3A_184 = arith.constant 14 : i32
    %add3A_185 = vector.broadcast %add3A_184 : i32 to vector<1x1280xi32>
    %add3A_186 = arith.addi %get3A_160, %add3A_185 : vector<1x1280xi32>
    %eq3A_187 = vector.broadcast %add3A_186 : vector<1x1280xi32> to vector<32x1280xi32>
    %eq3A_188 = arith.cmpi eq, %eq3A_187, %iota3A : vector<32x1280xi32>
    %jit3A_189 = arith.constant 1.000000e+00 : f32
    %jit3A_190 = arith.constant 0.000000e+00 : f32
    %broadcast_in_dim3A_191 = vector.broadcast %jit3A_189 : f32 to vector<32x1280xf32>
    %broadcast_in_dim3A_192 = vector.broadcast %jit3A_190 : f32 to vector<32x1280xf32>
    %select_n3A_193 = arith.select %eq3A_188, %broadcast_in_dim3A_191, %broadcast_in_dim3A_192 : vector<32x1280xi1>, vector<32x1280xf32>
    %add3A_194 = arith.addf %add3A_183, %select_n3A_193 : vector<32x1280xf32>
    %add3A_195 = arith.constant 20 : i32
    %add3A_196 = vector.broadcast %add3A_195 : i32 to vector<1x1280xi32>
    %add3A_197 = arith.addi %get3A_165, %add3A_196 : vector<1x1280xi32>
    %eq3A_198 = vector.broadcast %add3A_197 : vector<1x1280xi32> to vector<32x1280xi32>
    %eq3A_199 = arith.cmpi eq, %eq3A_198, %iota3A : vector<32x1280xi32>
    %jit3A_200 = arith.constant 1.000000e+00 : f32
    %jit3A_201 = arith.constant 0.000000e+00 : f32
    %broadcast_in_dim3A_202 = vector.broadcast %jit3A_200 : f32 to vector<32x1280xf32>
    %broadcast_in_dim3A_203 = vector.broadcast %jit3A_201 : f32 to vector<32x1280xf32>
    %select_n3A_204 = arith.select %eq3A_199, %broadcast_in_dim3A_202, %broadcast_in_dim3A_203 : vector<32x1280xi1>, vector<32x1280xf32>
    %add3A_205 = arith.addf %add3A_194, %select_n3A_204 : vector<32x1280xf32>
    %get3A_206 = arith.constant 0 : index
    %get3A_207 = arith.constant 1 : index
    %get3A_208 = arith.constant 0 : index
    %get3A_209 = vector.load %arg7[%get3A_206, %get3A_207, %get3A_208] : memref<1x5x1280xi32, #tpu.memory_space<vmem>>, vector<1x1x1280xi32>
    %get3A_210 = vector.shape_cast %get3A_209 : vector<1x1x1280xi32> to vector<1x1280xi32>
    %abs3A_211 = math.absi %get3A_210 : vector<1x1280xi32>
    %jit3A_212 = arith.constant 0 : i32
    %jit3A_213 = arith.constant 364 : i32
    %max3A_214 = vector.broadcast %jit3A_212 : i32 to vector<1x1280xi32>
    %max3A_215 = arith.maxsi %max3A_214, %abs3A_211 : vector<1x1280xi32>
    %min3A_216 = vector.broadcast %jit3A_213 : i32 to vector<1x1280xi32>
    %min3A_217 = arith.minsi %min3A_216, %max3A_215 : vector<1x1280xi32>
    %convert_element_type3A_218 = arith.sitofp %min3A_217 : vector<1x1280xi32> to vector<1x1280xf32>
    %get3A_219 = arith.constant 0 : index
    %get3A_220 = arith.constant 0 : index
    %get3A_221 = vector.load %arg14[%get3A_219, %get3A_220] : memref<32x2xf32, #tpu.memory_space<vmem>>, vector<32x1xf32>
    %mul3A_222 = vector.broadcast %convert_element_type3A_218 : vector<1x1280xf32> to vector<32x1280xf32>
    %mul3A_223 = vector.broadcast %get3A_221 : vector<32x1xf32> to vector<32x1280xf32>
    %mul3A_224 = arith.mulf %mul3A_222, %mul3A_223 : vector<32x1280xf32>
    %get3A_225 = arith.constant 0 : index
    %get3A_226 = arith.constant 1 : index
    %get3A_227 = vector.load %arg14[%get3A_225, %get3A_226] : memref<32x2xf32, #tpu.memory_space<vmem>>, vector<32x1xf32>
    %add3A_228 = vector.broadcast %get3A_227 : vector<32x1xf32> to vector<32x1280xf32>
    %add3A_229 = arith.addf %mul3A_224, %add3A_228 : vector<32x1280xf32>
    %sin3A_230 = math.sin %add3A_229 : vector<32x1280xf32>
    %get3A_231 = arith.constant 0 : index
    %get3A_232 = arith.constant 1 : index
    %get3A_233 = arith.constant 0 : index
    %get3A_234 = vector.load %arg6[%get3A_231, %get3A_232, %get3A_233] : memref<1x5x1280xf32, #tpu.memory_space<vmem>>, vector<1x1x1280xf32>
    %get3A_235 = vector.shape_cast %get3A_234 : vector<1x1x1280xf32> to vector<1x1280xf32>
    %get3A_236 = arith.constant 0 : index
    %get3A_237 = arith.constant 0 : index
    %get3A_238 = vector.load %arg13[%get3A_236, %get3A_237] : memref<32x1xf32, #tpu.memory_space<vmem>>, vector<32x1xf32>
    %mul3A_239 = vector.broadcast %get3A_235 : vector<1x1280xf32> to vector<32x1280xf32>
    %mul3A_240 = vector.broadcast %get3A_238 : vector<32x1xf32> to vector<32x1280xf32>
    %mul3A_241 = arith.mulf %mul3A_239, %mul3A_240 : vector<32x1280xf32>
    %add3A_242 = arith.addf %sin3A_230, %mul3A_241 : vector<32x1280xf32>
    %get3A_243 = arith.constant 0 : index
    %get3A_244 = arith.constant 1 : index
    %get3A_245 = arith.constant 0 : index
    %get3A_246 = vector.load %arg8[%get3A_243, %get3A_244, %get3A_245] : memref<1x5x1280xf32, #tpu.memory_space<vmem>>, vector<1x1x1280xf32>
    %get3A_247 = vector.shape_cast %get3A_246 : vector<1x1x1280xf32> to vector<1x1280xf32>
    %get3A_248 = arith.constant 0 : index
    %get3A_249 = arith.constant 1 : index
    %get3A_250 = arith.constant 0 : index
    %get3A_251 = vector.load %arg9[%get3A_248, %get3A_249, %get3A_250] : memref<1x5x1280xf32, #tpu.memory_space<vmem>>, vector<1x1x1280xf32>
    %get3A_252 = vector.shape_cast %get3A_251 : vector<1x1x1280xf32> to vector<1x1280xf32>
    %get3A_253 = arith.constant 0 : index
    %get3A_254 = arith.constant 1 : index
    %get3A_255 = arith.constant 0 : index
    %get3A_256 = vector.load %arg10[%get3A_253, %get3A_254, %get3A_255] : memref<1x5x1280xf32, #tpu.memory_space<vmem>>, vector<1x1x1280xf32>
    %get3A_257 = vector.shape_cast %get3A_256 : vector<1x1x1280xf32> to vector<1x1280xf32>
    %broadcast_in_dim3A_258 = arith.constant 1.000000e+00 : f32
    %broadcast_in_dim3A_259 = vector.broadcast %broadcast_in_dim3A_258 : f32 to vector<1x1280xf32>
    %concatenate3A_260 = tpu.concatenate %add3A_205, %add3A_242, %get3A_247, %get3A_252, %get3A_257, %broadcast_in_dim3A_259 in 0 : vector<32x1280xf32>, vector<32x1280xf32>, vector<1x1280xf32>, vector<1x1280xf32>, vector<1x1280xf32>, vector<1x1280xf32> -> vector<68x1280xf32>
    %convert_element_type3A_261 = arith.truncf %concatenate3A_260 : vector<68x1280xf32> to vector<68x1280xbf16>
    %dot_general3A_262 = arith.constant dense<0.000000e+00> : vector<1280x64xf32>
    %dot_general3A_263 = tpu.matmul %convert_element_type3A_261, %convert_element_type3A_5, %dot_general3A_262 {dimension_numbers = #tpu.dot_dimension_numbers<[0], [0], [1], [1], [0, 1, 1, 1], [], []>, transpose_lhs_hint = false} : vector<68x1280xbf16>, vector<68x64xbf16>, vector<1280x64xf32> -> vector<1280x64xf32>
    %slice3A_264 = vector.extract_strided_slice %convert_element_type3A {offsets = [1280, 0], sizes = [1280, 32], strides = [1, 1]} : vector<6400x32xbf16> to vector<1280x32xbf16>
    %dot_general3A_265 = arith.constant dense<0.000000e+00> : vector<1280x64xf32>
    %dot_general3A_266 = tpu.matmul %slice3A_264, %convert_element_type3A_9, %dot_general3A_265 {dimension_numbers = #tpu.dot_dimension_numbers<[1], [0], [0], [1], [0, 0, 1, 1], [], []>, transpose_lhs_hint = false} : vector<1280x32xbf16>, vector<32x64xbf16>, vector<1280x64xf32> -> vector<1280x64xf32>
    %add3A_267 = arith.addf %dot_general3A_263, %dot_general3A_266 : vector<1280x64xf32>
    %reduce_sum3A_268 = arith.constant dense<0.000000e+00> : vector<1280xf32>
    %reduce_sum3A_269 = vector.multi_reduction <add>, %add3A_267, %reduce_sum3A_268 [1] : vector<1280x64xf32> to vector<1280xf32>
    %broadcast_in_dim3A_270 = vector.shape_cast %reduce_sum3A_269 : vector<1280xf32> to vector<1280x1xf32>
    %div3A_271 = arith.constant 6.400000e+01 : f32
    %div3A_272 = vector.broadcast %div3A_271 : f32 to vector<1280x1xf32>
    %div3A_273 = arith.divf %broadcast_in_dim3A_270, %div3A_272 : vector<1280x1xf32>
    %sub3A_274 = vector.broadcast %div3A_273 : vector<1280x1xf32> to vector<1280x64xf32>
    %sub3A_275 = arith.subf %add3A_267, %sub3A_274 : vector<1280x64xf32>
    %mul3A_276 = arith.mulf %sub3A_275, %sub3A_275 : vector<1280x64xf32>
    %reduce_sum3A_277 = arith.constant dense<0.000000e+00> : vector<1280xf32>
    %reduce_sum3A_278 = vector.multi_reduction <add>, %mul3A_276, %reduce_sum3A_277 [1] : vector<1280x64xf32> to vector<1280xf32>
    %broadcast_in_dim3A_279 = vector.shape_cast %reduce_sum3A_278 : vector<1280xf32> to vector<1280x1xf32>
    %div3A_280 = arith.constant 6.400000e+01 : f32
    %div3A_281 = vector.broadcast %div3A_280 : f32 to vector<1280x1xf32>
    %div3A_282 = arith.divf %broadcast_in_dim3A_279, %div3A_281 : vector<1280x1xf32>
    %add3A_283 = arith.constant 9.99999974E-6 : f32
    %add3A_284 = vector.broadcast %add3A_283 : f32 to vector<1280x1xf32>
    %add3A_285 = arith.addf %div3A_282, %add3A_284 : vector<1280x1xf32>
    %rsqrt3A_286 = math.rsqrt %add3A_285 : vector<1280x1xf32>
    %mul3A_287 = vector.broadcast %rsqrt3A_286 : vector<1280x1xf32> to vector<1280x64xf32>
    %mul3A_288 = arith.mulf %sub3A_275, %mul3A_287 : vector<1280x64xf32>
    %get3A_289 = arith.constant 0 : index
    %get3A_290 = arith.constant 0 : index
    %get3A_291 = vector.load %arg15[%get3A_289, %get3A_290] : memref<1x64xf32, #tpu.memory_space<vmem>>, vector<1x64xf32>
    %mul3A_292 = vector.broadcast %get3A_291 : vector<1x64xf32> to vector<1280x64xf32>
    %mul3A_293 = arith.mulf %mul3A_288, %mul3A_292 : vector<1280x64xf32>
    %get3A_294 = arith.constant 0 : index
    %get3A_295 = arith.constant 0 : index
    %get3A_296 = vector.load %arg16[%get3A_294, %get3A_295] : memref<1x64xf32, #tpu.memory_space<vmem>>, vector<1x64xf32>
    %add3A_297 = vector.broadcast %get3A_296 : vector<1x64xf32> to vector<1280x64xf32>
    %add3A_298 = arith.addf %mul3A_293, %add3A_297 : vector<1280x64xf32>
    %get3A_299 = arith.constant 0 : index
    %get3A_300 = arith.constant 2 : index
    %get3A_301 = arith.constant 0 : index
    %get3A_302 = vector.load %arg2[%get3A_299, %get3A_300, %get3A_301] : memref<1x5x1280xi32, #tpu.memory_space<vmem>>, vector<1x1x1280xi32>
    %get3A_303 = vector.shape_cast %get3A_302 : vector<1x1x1280xi32> to vector<1x1280xi32>
    %get3A_304 = arith.constant 0 : index
    %get3A_305 = arith.constant 2 : index
    %get3A_306 = arith.constant 0 : index
    %get3A_307 = vector.load %arg3[%get3A_304, %get3A_305, %get3A_306] : memref<1x5x1280xi32, #tpu.memory_space<vmem>>, vector<1x1x1280xi32>
    %get3A_308 = vector.shape_cast %get3A_307 : vector<1x1x1280xi32> to vector<1x1280xi32>
    %get3A_309 = arith.constant 0 : index
    %get3A_310 = arith.constant 2 : index
    %get3A_311 = arith.constant 0 : index
    %get3A_312 = vector.load %arg4[%get3A_309, %get3A_310, %get3A_311] : memref<1x5x1280xi32, #tpu.memory_space<vmem>>, vector<1x1x1280xi32>
    %get3A_313 = vector.shape_cast %get3A_312 : vector<1x1x1280xi32> to vector<1x1280xi32>
    %get3A_314 = arith.constant 0 : index
    %get3A_315 = arith.constant 2 : index
    %get3A_316 = arith.constant 0 : index
    %get3A_317 = vector.load %arg5[%get3A_314, %get3A_315, %get3A_316] : memref<1x5x1280xi32, #tpu.memory_space<vmem>>, vector<1x1x1280xi32>
    %get3A_318 = vector.shape_cast %get3A_317 : vector<1x1x1280xi32> to vector<1x1280xi32>
    %eq3A_319 = vector.broadcast %get3A_303 : vector<1x1280xi32> to vector<32x1280xi32>
    %eq3A_320 = arith.cmpi eq, %eq3A_319, %iota3A : vector<32x1280xi32>
    %jit3A_321 = arith.constant 1.000000e+00 : f32
    %jit3A_322 = arith.constant 0.000000e+00 : f32
    %broadcast_in_dim3A_323 = vector.broadcast %jit3A_321 : f32 to vector<32x1280xf32>
    %broadcast_in_dim3A_324 = vector.broadcast %jit3A_322 : f32 to vector<32x1280xf32>
    %select_n3A_325 = arith.select %eq3A_320, %broadcast_in_dim3A_323, %broadcast_in_dim3A_324 : vector<32x1280xi1>, vector<32x1280xf32>
    %add3A_326 = arith.constant 6 : i32
    %add3A_327 = vector.broadcast %add3A_326 : i32 to vector<1x1280xi32>
    %add3A_328 = arith.addi %get3A_308, %add3A_327 : vector<1x1280xi32>
    %eq3A_329 = vector.broadcast %add3A_328 : vector<1x1280xi32> to vector<32x1280xi32>
    %eq3A_330 = arith.cmpi eq, %eq3A_329, %iota3A : vector<32x1280xi32>
    %jit3A_331 = arith.constant 1.000000e+00 : f32
    %jit3A_332 = arith.constant 0.000000e+00 : f32
    %broadcast_in_dim3A_333 = vector.broadcast %jit3A_331 : f32 to vector<32x1280xf32>
    %broadcast_in_dim3A_334 = vector.broadcast %jit3A_332 : f32 to vector<32x1280xf32>
    %select_n3A_335 = arith.select %eq3A_330, %broadcast_in_dim3A_333, %broadcast_in_dim3A_334 : vector<32x1280xi1>, vector<32x1280xf32>
    %add3A_336 = arith.addf %select_n3A_325, %select_n3A_335 : vector<32x1280xf32>
    %add3A_337 = arith.constant 14 : i32
    %add3A_338 = vector.broadcast %add3A_337 : i32 to vector<1x1280xi32>
    %add3A_339 = arith.addi %get3A_313, %add3A_338 : vector<1x1280xi32>
    %eq3A_340 = vector.broadcast %add3A_339 : vector<1x1280xi32> to vector<32x1280xi32>
    %eq3A_341 = arith.cmpi eq, %eq3A_340, %iota3A : vector<32x1280xi32>
    %jit3A_342 = arith.constant 1.000000e+00 : f32
    %jit3A_343 = arith.constant 0.000000e+00 : f32
    %broadcast_in_dim3A_344 = vector.broadcast %jit3A_342 : f32 to vector<32x1280xf32>
    %broadcast_in_dim3A_345 = vector.broadcast %jit3A_343 : f32 to vector<32x1280xf32>
    %select_n3A_346 = arith.select %eq3A_341, %broadcast_in_dim3A_344, %broadcast_in_dim3A_345 : vector<32x1280xi1>, vector<32x1280xf32>
    %add3A_347 = arith.addf %add3A_336, %select_n3A_346 : vector<32x1280xf32>
    %add3A_348 = arith.constant 20 : i32
    %add3A_349 = vector.broadcast %add3A_348 : i32 to vector<1x1280xi32>
    %add3A_350 = arith.addi %get3A_318, %add3A_349 : vector<1x1280xi32>
    %eq3A_351 = vector.broadcast %add3A_350 : vector<1x1280xi32> to vector<32x1280xi32>
    %eq3A_352 = arith.cmpi eq, %eq3A_351, %iota3A : vector<32x1280xi32>
    %jit3A_353 = arith.constant 1.000000e+00 : f32
    %jit3A_354 = arith.constant 0.000000e+00 : f32
    %broadcast_in_dim3A_355 = vector.broadcast %jit3A_353 : f32 to vector<32x1280xf32>
    %broadcast_in_dim3A_356 = vector.broadcast %jit3A_354 : f32 to vector<32x1280xf32>
    %select_n3A_357 = arith.select %eq3A_352, %broadcast_in_dim3A_355, %broadcast_in_dim3A_356 : vector<32x1280xi1>, vector<32x1280xf32>
    %add3A_358 = arith.addf %add3A_347, %select_n3A_357 : vector<32x1280xf32>
    %get3A_359 = arith.constant 0 : index
    %get3A_360 = arith.constant 2 : index
    %get3A_361 = arith.constant 0 : index
    %get3A_362 = vector.load %arg7[%get3A_359, %get3A_360, %get3A_361] : memref<1x5x1280xi32, #tpu.memory_space<vmem>>, vector<1x1x1280xi32>
    %get3A_363 = vector.shape_cast %get3A_362 : vector<1x1x1280xi32> to vector<1x1280xi32>
    %abs3A_364 = math.absi %get3A_363 : vector<1x1280xi32>
    %jit3A_365 = arith.constant 0 : i32
    %jit3A_366 = arith.constant 364 : i32
    %max3A_367 = vector.broadcast %jit3A_365 : i32 to vector<1x1280xi32>
    %max3A_368 = arith.maxsi %max3A_367, %abs3A_364 : vector<1x1280xi32>
    %min3A_369 = vector.broadcast %jit3A_366 : i32 to vector<1x1280xi32>
    %min3A_370 = arith.minsi %min3A_369, %max3A_368 : vector<1x1280xi32>
    %convert_element_type3A_371 = arith.sitofp %min3A_370 : vector<1x1280xi32> to vector<1x1280xf32>
    %get3A_372 = arith.constant 0 : index
    %get3A_373 = arith.constant 0 : index
    %get3A_374 = vector.load %arg14[%get3A_372, %get3A_373] : memref<32x2xf32, #tpu.memory_space<vmem>>, vector<32x1xf32>
    %mul3A_375 = vector.broadcast %convert_element_type3A_371 : vector<1x1280xf32> to vector<32x1280xf32>
    %mul3A_376 = vector.broadcast %get3A_374 : vector<32x1xf32> to vector<32x1280xf32>
    %mul3A_377 = arith.mulf %mul3A_375, %mul3A_376 : vector<32x1280xf32>
    %get3A_378 = arith.constant 0 : index
    %get3A_379 = arith.constant 1 : index
    %get3A_380 = vector.load %arg14[%get3A_378, %get3A_379] : memref<32x2xf32, #tpu.memory_space<vmem>>, vector<32x1xf32>
    %add3A_381 = vector.broadcast %get3A_380 : vector<32x1xf32> to vector<32x1280xf32>
    %add3A_382 = arith.addf %mul3A_377, %add3A_381 : vector<32x1280xf32>
    %sin3A_383 = math.sin %add3A_382 : vector<32x1280xf32>
    %get3A_384 = arith.constant 0 : index
    %get3A_385 = arith.constant 2 : index
    %get3A_386 = arith.constant 0 : index
    %get3A_387 = vector.load %arg6[%get3A_384, %get3A_385, %get3A_386] : memref<1x5x1280xf32, #tpu.memory_space<vmem>>, vector<1x1x1280xf32>
    %get3A_388 = vector.shape_cast %get3A_387 : vector<1x1x1280xf32> to vector<1x1280xf32>
    %get3A_389 = arith.constant 0 : index
    %get3A_390 = arith.constant 0 : index
    %get3A_391 = vector.load %arg13[%get3A_389, %get3A_390] : memref<32x1xf32, #tpu.memory_space<vmem>>, vector<32x1xf32>
    %mul3A_392 = vector.broadcast %get3A_388 : vector<1x1280xf32> to vector<32x1280xf32>
    %mul3A_393 = vector.broadcast %get3A_391 : vector<32x1xf32> to vector<32x1280xf32>
    %mul3A_394 = arith.mulf %mul3A_392, %mul3A_393 : vector<32x1280xf32>
    %add3A_395 = arith.addf %sin3A_383, %mul3A_394 : vector<32x1280xf32>
    %get3A_396 = arith.constant 0 : index
    %get3A_397 = arith.constant 2 : index
    %get3A_398 = arith.constant 0 : index
    %get3A_399 = vector.load %arg8[%get3A_396, %get3A_397, %get3A_398] : memref<1x5x1280xf32, #tpu.memory_space<vmem>>, vector<1x1x1280xf32>
    %get3A_400 = vector.shape_cast %get3A_399 : vector<1x1x1280xf32> to vector<1x1280xf32>
    %get3A_401 = arith.constant 0 : index
    %get3A_402 = arith.constant 2 : index
    %get3A_403 = arith.constant 0 : index
    %get3A_404 = vector.load %arg9[%get3A_401, %get3A_402, %get3A_403] : memref<1x5x1280xf32, #tpu.memory_space<vmem>>, vector<1x1x1280xf32>
    %get3A_405 = vector.shape_cast %get3A_404 : vector<1x1x1280xf32> to vector<1x1280xf32>
    %get3A_406 = arith.constant 0 : index
    %get3A_407 = arith.constant 2 : index
    %get3A_408 = arith.constant 0 : index
    %get3A_409 = vector.load %arg10[%get3A_406, %get3A_407, %get3A_408] : memref<1x5x1280xf32, #tpu.memory_space<vmem>>, vector<1x1x1280xf32>
    %get3A_410 = vector.shape_cast %get3A_409 : vector<1x1x1280xf32> to vector<1x1280xf32>
    %broadcast_in_dim3A_411 = arith.constant 1.000000e+00 : f32
    %broadcast_in_dim3A_412 = vector.broadcast %broadcast_in_dim3A_411 : f32 to vector<1x1280xf32>
    %concatenate3A_413 = tpu.concatenate %add3A_358, %add3A_395, %get3A_400, %get3A_405, %get3A_410, %broadcast_in_dim3A_412 in 0 : vector<32x1280xf32>, vector<32x1280xf32>, vector<1x1280xf32>, vector<1x1280xf32>, vector<1x1280xf32>, vector<1x1280xf32> -> vector<68x1280xf32>
    %convert_element_type3A_414 = arith.truncf %concatenate3A_413 : vector<68x1280xf32> to vector<68x1280xbf16>
    %dot_general3A_415 = arith.constant dense<0.000000e+00> : vector<1280x64xf32>
    %dot_general3A_416 = tpu.matmul %convert_element_type3A_414, %convert_element_type3A_5, %dot_general3A_415 {dimension_numbers = #tpu.dot_dimension_numbers<[0], [0], [1], [1], [0, 1, 1, 1], [], []>, transpose_lhs_hint = false} : vector<68x1280xbf16>, vector<68x64xbf16>, vector<1280x64xf32> -> vector<1280x64xf32>
    %slice3A_417 = vector.extract_strided_slice %convert_element_type3A {offsets = [2560, 0], sizes = [1280, 32], strides = [1, 1]} : vector<6400x32xbf16> to vector<1280x32xbf16>
    %dot_general3A_418 = arith.constant dense<0.000000e+00> : vector<1280x64xf32>
    %dot_general3A_419 = tpu.matmul %slice3A_417, %convert_element_type3A_9, %dot_general3A_418 {dimension_numbers = #tpu.dot_dimension_numbers<[1], [0], [0], [1], [0, 0, 1, 1], [], []>, transpose_lhs_hint = false} : vector<1280x32xbf16>, vector<32x64xbf16>, vector<1280x64xf32> -> vector<1280x64xf32>
    %add3A_420 = arith.addf %dot_general3A_416, %dot_general3A_419 : vector<1280x64xf32>
    %reduce_sum3A_421 = arith.constant dense<0.000000e+00> : vector<1280xf32>
    %reduce_sum3A_422 = vector.multi_reduction <add>, %add3A_420, %reduce_sum3A_421 [1] : vector<1280x64xf32> to vector<1280xf32>
    %broadcast_in_dim3A_423 = vector.shape_cast %reduce_sum3A_422 : vector<1280xf32> to vector<1280x1xf32>
    %div3A_424 = arith.constant 6.400000e+01 : f32
    %div3A_425 = vector.broadcast %div3A_424 : f32 to vector<1280x1xf32>
    %div3A_426 = arith.divf %broadcast_in_dim3A_423, %div3A_425 : vector<1280x1xf32>
    %sub3A_427 = vector.broadcast %div3A_426 : vector<1280x1xf32> to vector<1280x64xf32>
    %sub3A_428 = arith.subf %add3A_420, %sub3A_427 : vector<1280x64xf32>
    %mul3A_429 = arith.mulf %sub3A_428, %sub3A_428 : vector<1280x64xf32>
    %reduce_sum3A_430 = arith.constant dense<0.000000e+00> : vector<1280xf32>
    %reduce_sum3A_431 = vector.multi_reduction <add>, %mul3A_429, %reduce_sum3A_430 [1] : vector<1280x64xf32> to vector<1280xf32>
    %broadcast_in_dim3A_432 = vector.shape_cast %reduce_sum3A_431 : vector<1280xf32> to vector<1280x1xf32>
    %div3A_433 = arith.constant 6.400000e+01 : f32
    %div3A_434 = vector.broadcast %div3A_433 : f32 to vector<1280x1xf32>
    %div3A_435 = arith.divf %broadcast_in_dim3A_432, %div3A_434 : vector<1280x1xf32>
    %add3A_436 = arith.constant 9.99999974E-6 : f32
    %add3A_437 = vector.broadcast %add3A_436 : f32 to vector<1280x1xf32>
    %add3A_438 = arith.addf %div3A_435, %add3A_437 : vector<1280x1xf32>
    %rsqrt3A_439 = math.rsqrt %add3A_438 : vector<1280x1xf32>
    %mul3A_440 = vector.broadcast %rsqrt3A_439 : vector<1280x1xf32> to vector<1280x64xf32>
    %mul3A_441 = arith.mulf %sub3A_428, %mul3A_440 : vector<1280x64xf32>
    %get3A_442 = arith.constant 0 : index
    %get3A_443 = arith.constant 0 : index
    %get3A_444 = vector.load %arg15[%get3A_442, %get3A_443] : memref<1x64xf32, #tpu.memory_space<vmem>>, vector<1x64xf32>
    %mul3A_445 = vector.broadcast %get3A_444 : vector<1x64xf32> to vector<1280x64xf32>
    %mul3A_446 = arith.mulf %mul3A_441, %mul3A_445 : vector<1280x64xf32>
    %get3A_447 = arith.constant 0 : index
    %get3A_448 = arith.constant 0 : index
    %get3A_449 = vector.load %arg16[%get3A_447, %get3A_448] : memref<1x64xf32, #tpu.memory_space<vmem>>, vector<1x64xf32>
    %add3A_450 = vector.broadcast %get3A_449 : vector<1x64xf32> to vector<1280x64xf32>
    %add3A_451 = arith.addf %mul3A_446, %add3A_450 : vector<1280x64xf32>
    %get3A_452 = arith.constant 0 : index
    %get3A_453 = arith.constant 3 : index
    %get3A_454 = arith.constant 0 : index
    %get3A_455 = vector.load %arg2[%get3A_452, %get3A_453, %get3A_454] : memref<1x5x1280xi32, #tpu.memory_space<vmem>>, vector<1x1x1280xi32>
    %get3A_456 = vector.shape_cast %get3A_455 : vector<1x1x1280xi32> to vector<1x1280xi32>
    %get3A_457 = arith.constant 0 : index
    %get3A_458 = arith.constant 3 : index
    %get3A_459 = arith.constant 0 : index
    %get3A_460 = vector.load %arg3[%get3A_457, %get3A_458, %get3A_459] : memref<1x5x1280xi32, #tpu.memory_space<vmem>>, vector<1x1x1280xi32>
    %get3A_461 = vector.shape_cast %get3A_460 : vector<1x1x1280xi32> to vector<1x1280xi32>
    %get3A_462 = arith.constant 0 : index
    %get3A_463 = arith.constant 3 : index
    %get3A_464 = arith.constant 0 : index
    %get3A_465 = vector.load %arg4[%get3A_462, %get3A_463, %get3A_464] : memref<1x5x1280xi32, #tpu.memory_space<vmem>>, vector<1x1x1280xi32>
    %get3A_466 = vector.shape_cast %get3A_465 : vector<1x1x1280xi32> to vector<1x1280xi32>
    %get3A_467 = arith.constant 0 : index
    %get3A_468 = arith.constant 3 : index
    %get3A_469 = arith.constant 0 : index
    %get3A_470 = vector.load %arg5[%get3A_467, %get3A_468, %get3A_469] : memref<1x5x1280xi32, #tpu.memory_space<vmem>>, vector<1x1x1280xi32>
    %get3A_471 = vector.shape_cast %get3A_470 : vector<1x1x1280xi32> to vector<1x1280xi32>
    %eq3A_472 = vector.broadcast %get3A_456 : vector<1x1280xi32> to vector<32x1280xi32>
    %eq3A_473 = arith.cmpi eq, %eq3A_472, %iota3A : vector<32x1280xi32>
    %jit3A_474 = arith.constant 1.000000e+00 : f32
    %jit3A_475 = arith.constant 0.000000e+00 : f32
    %broadcast_in_dim3A_476 = vector.broadcast %jit3A_474 : f32 to vector<32x1280xf32>
    %broadcast_in_dim3A_477 = vector.broadcast %jit3A_475 : f32 to vector<32x1280xf32>
    %select_n3A_478 = arith.select %eq3A_473, %broadcast_in_dim3A_476, %broadcast_in_dim3A_477 : vector<32x1280xi1>, vector<32x1280xf32>
    %add3A_479 = arith.constant 6 : i32
    %add3A_480 = vector.broadcast %add3A_479 : i32 to vector<1x1280xi32>
    %add3A_481 = arith.addi %get3A_461, %add3A_480 : vector<1x1280xi32>
    %eq3A_482 = vector.broadcast %add3A_481 : vector<1x1280xi32> to vector<32x1280xi32>
    %eq3A_483 = arith.cmpi eq, %eq3A_482, %iota3A : vector<32x1280xi32>
    %jit3A_484 = arith.constant 1.000000e+00 : f32
    %jit3A_485 = arith.constant 0.000000e+00 : f32
    %broadcast_in_dim3A_486 = vector.broadcast %jit3A_484 : f32 to vector<32x1280xf32>
    %broadcast_in_dim3A_487 = vector.broadcast %jit3A_485 : f32 to vector<32x1280xf32>
    %select_n3A_488 = arith.select %eq3A_483, %broadcast_in_dim3A_486, %broadcast_in_dim3A_487 : vector<32x1280xi1>, vector<32x1280xf32>
    %add3A_489 = arith.addf %select_n3A_478, %select_n3A_488 : vector<32x1280xf32>
    %add3A_490 = arith.constant 14 : i32
    %add3A_491 = vector.broadcast %add3A_490 : i32 to vector<1x1280xi32>
    %add3A_492 = arith.addi %get3A_466, %add3A_491 : vector<1x1280xi32>
    %eq3A_493 = vector.broadcast %add3A_492 : vector<1x1280xi32> to vector<32x1280xi32>
    %eq3A_494 = arith.cmpi eq, %eq3A_493, %iota3A : vector<32x1280xi32>
    %jit3A_495 = arith.constant 1.000000e+00 : f32
    %jit3A_496 = arith.constant 0.000000e+00 : f32
    %broadcast_in_dim3A_497 = vector.broadcast %jit3A_495 : f32 to vector<32x1280xf32>
    %broadcast_in_dim3A_498 = vector.broadcast %jit3A_496 : f32 to vector<32x1280xf32>
    %select_n3A_499 = arith.select %eq3A_494, %broadcast_in_dim3A_497, %broadcast_in_dim3A_498 : vector<32x1280xi1>, vector<32x1280xf32>
    %add3A_500 = arith.addf %add3A_489, %select_n3A_499 : vector<32x1280xf32>
    %add3A_501 = arith.constant 20 : i32
    %add3A_502 = vector.broadcast %add3A_501 : i32 to vector<1x1280xi32>
    %add3A_503 = arith.addi %get3A_471, %add3A_502 : vector<1x1280xi32>
    %eq3A_504 = vector.broadcast %add3A_503 : vector<1x1280xi32> to vector<32x1280xi32>
    %eq3A_505 = arith.cmpi eq, %eq3A_504, %iota3A : vector<32x1280xi32>
    %jit3A_506 = arith.constant 1.000000e+00 : f32
    %jit3A_507 = arith.constant 0.000000e+00 : f32
    %broadcast_in_dim3A_508 = vector.broadcast %jit3A_506 : f32 to vector<32x1280xf32>
    %broadcast_in_dim3A_509 = vector.broadcast %jit3A_507 : f32 to vector<32x1280xf32>
    %select_n3A_510 = arith.select %eq3A_505, %broadcast_in_dim3A_508, %broadcast_in_dim3A_509 : vector<32x1280xi1>, vector<32x1280xf32>
    %add3A_511 = arith.addf %add3A_500, %select_n3A_510 : vector<32x1280xf32>
    %get3A_512 = arith.constant 0 : index
    %get3A_513 = arith.constant 3 : index
    %get3A_514 = arith.constant 0 : index
    %get3A_515 = vector.load %arg7[%get3A_512, %get3A_513, %get3A_514] : memref<1x5x1280xi32, #tpu.memory_space<vmem>>, vector<1x1x1280xi32>
    %get3A_516 = vector.shape_cast %get3A_515 : vector<1x1x1280xi32> to vector<1x1280xi32>
    %abs3A_517 = math.absi %get3A_516 : vector<1x1280xi32>
    %jit3A_518 = arith.constant 0 : i32
    %jit3A_519 = arith.constant 364 : i32
    %max3A_520 = vector.broadcast %jit3A_518 : i32 to vector<1x1280xi32>
    %max3A_521 = arith.maxsi %max3A_520, %abs3A_517 : vector<1x1280xi32>
    %min3A_522 = vector.broadcast %jit3A_519 : i32 to vector<1x1280xi32>
    %min3A_523 = arith.minsi %min3A_522, %max3A_521 : vector<1x1280xi32>
    %convert_element_type3A_524 = arith.sitofp %min3A_523 : vector<1x1280xi32> to vector<1x1280xf32>
    %get3A_525 = arith.constant 0 : index
    %get3A_526 = arith.constant 0 : index
    %get3A_527 = vector.load %arg14[%get3A_525, %get3A_526] : memref<32x2xf32, #tpu.memory_space<vmem>>, vector<32x1xf32>
    %mul3A_528 = vector.broadcast %convert_element_type3A_524 : vector<1x1280xf32> to vector<32x1280xf32>
    %mul3A_529 = vector.broadcast %get3A_527 : vector<32x1xf32> to vector<32x1280xf32>
    %mul3A_530 = arith.mulf %mul3A_528, %mul3A_529 : vector<32x1280xf32>
    %get3A_531 = arith.constant 0 : index
    %get3A_532 = arith.constant 1 : index
    %get3A_533 = vector.load %arg14[%get3A_531, %get3A_532] : memref<32x2xf32, #tpu.memory_space<vmem>>, vector<32x1xf32>
    %add3A_534 = vector.broadcast %get3A_533 : vector<32x1xf32> to vector<32x1280xf32>
    %add3A_535 = arith.addf %mul3A_530, %add3A_534 : vector<32x1280xf32>
    %sin3A_536 = math.sin %add3A_535 : vector<32x1280xf32>
    %get3A_537 = arith.constant 0 : index
    %get3A_538 = arith.constant 3 : index
    %get3A_539 = arith.constant 0 : index
    %get3A_540 = vector.load %arg6[%get3A_537, %get3A_538, %get3A_539] : memref<1x5x1280xf32, #tpu.memory_space<vmem>>, vector<1x1x1280xf32>
    %get3A_541 = vector.shape_cast %get3A_540 : vector<1x1x1280xf32> to vector<1x1280xf32>
    %get3A_542 = arith.constant 0 : index
    %get3A_543 = arith.constant 0 : index
    %get3A_544 = vector.load %arg13[%get3A_542, %get3A_543] : memref<32x1xf32, #tpu.memory_space<vmem>>, vector<32x1xf32>
    %mul3A_545 = vector.broadcast %get3A_541 : vector<1x1280xf32> to vector<32x1280xf32>
    %mul3A_546 = vector.broadcast %get3A_544 : vector<32x1xf32> to vector<32x1280xf32>
    %mul3A_547 = arith.mulf %mul3A_545, %mul3A_546 : vector<32x1280xf32>
    %add3A_548 = arith.addf %sin3A_536, %mul3A_547 : vector<32x1280xf32>
    %get3A_549 = arith.constant 0 : index
    %get3A_550 = arith.constant 3 : index
    %get3A_551 = arith.constant 0 : index
    %get3A_552 = vector.load %arg8[%get3A_549, %get3A_550, %get3A_551] : memref<1x5x1280xf32, #tpu.memory_space<vmem>>, vector<1x1x1280xf32>
    %get3A_553 = vector.shape_cast %get3A_552 : vector<1x1x1280xf32> to vector<1x1280xf32>
    %get3A_554 = arith.constant 0 : index
    %get3A_555 = arith.constant 3 : index
    %get3A_556 = arith.constant 0 : index
    %get3A_557 = vector.load %arg9[%get3A_554, %get3A_555, %get3A_556] : memref<1x5x1280xf32, #tpu.memory_space<vmem>>, vector<1x1x1280xf32>
    %get3A_558 = vector.shape_cast %get3A_557 : vector<1x1x1280xf32> to vector<1x1280xf32>
    %get3A_559 = arith.constant 0 : index
    %get3A_560 = arith.constant 3 : index
    %get3A_561 = arith.constant 0 : index
    %get3A_562 = vector.load %arg10[%get3A_559, %get3A_560, %get3A_561] : memref<1x5x1280xf32, #tpu.memory_space<vmem>>, vector<1x1x1280xf32>
    %get3A_563 = vector.shape_cast %get3A_562 : vector<1x1x1280xf32> to vector<1x1280xf32>
    %broadcast_in_dim3A_564 = arith.constant 1.000000e+00 : f32
    %broadcast_in_dim3A_565 = vector.broadcast %broadcast_in_dim3A_564 : f32 to vector<1x1280xf32>
    %concatenate3A_566 = tpu.concatenate %add3A_511, %add3A_548, %get3A_553, %get3A_558, %get3A_563, %broadcast_in_dim3A_565 in 0 : vector<32x1280xf32>, vector<32x1280xf32>, vector<1x1280xf32>, vector<1x1280xf32>, vector<1x1280xf32>, vector<1x1280xf32> -> vector<68x1280xf32>
    %convert_element_type3A_567 = arith.truncf %concatenate3A_566 : vector<68x1280xf32> to vector<68x1280xbf16>
    %dot_general3A_568 = arith.constant dense<0.000000e+00> : vector<1280x64xf32>
    %dot_general3A_569 = tpu.matmul %convert_element_type3A_567, %convert_element_type3A_5, %dot_general3A_568 {dimension_numbers = #tpu.dot_dimension_numbers<[0], [0], [1], [1], [0, 1, 1, 1], [], []>, transpose_lhs_hint = false} : vector<68x1280xbf16>, vector<68x64xbf16>, vector<1280x64xf32> -> vector<1280x64xf32>
    %slice3A_570 = vector.extract_strided_slice %convert_element_type3A {offsets = [3840, 0], sizes = [1280, 32], strides = [1, 1]} : vector<6400x32xbf16> to vector<1280x32xbf16>
    %dot_general3A_571 = arith.constant dense<0.000000e+00> : vector<1280x64xf32>
    %dot_general3A_572 = tpu.matmul %slice3A_570, %convert_element_type3A_9, %dot_general3A_571 {dimension_numbers = #tpu.dot_dimension_numbers<[1], [0], [0], [1], [0, 0, 1, 1], [], []>, transpose_lhs_hint = false} : vector<1280x32xbf16>, vector<32x64xbf16>, vector<1280x64xf32> -> vector<1280x64xf32>
    %add3A_573 = arith.addf %dot_general3A_569, %dot_general3A_572 : vector<1280x64xf32>
    %reduce_sum3A_574 = arith.constant dense<0.000000e+00> : vector<1280xf32>
    %reduce_sum3A_575 = vector.multi_reduction <add>, %add3A_573, %reduce_sum3A_574 [1] : vector<1280x64xf32> to vector<1280xf32>
    %broadcast_in_dim3A_576 = vector.shape_cast %reduce_sum3A_575 : vector<1280xf32> to vector<1280x1xf32>
    %div3A_577 = arith.constant 6.400000e+01 : f32
    %div3A_578 = vector.broadcast %div3A_577 : f32 to vector<1280x1xf32>
    %div3A_579 = arith.divf %broadcast_in_dim3A_576, %div3A_578 : vector<1280x1xf32>
    %sub3A_580 = vector.broadcast %div3A_579 : vector<1280x1xf32> to vector<1280x64xf32>
    %sub3A_581 = arith.subf %add3A_573, %sub3A_580 : vector<1280x64xf32>
    %mul3A_582 = arith.mulf %sub3A_581, %sub3A_581 : vector<1280x64xf32>
    %reduce_sum3A_583 = arith.constant dense<0.000000e+00> : vector<1280xf32>
    %reduce_sum3A_584 = vector.multi_reduction <add>, %mul3A_582, %reduce_sum3A_583 [1] : vector<1280x64xf32> to vector<1280xf32>
    %broadcast_in_dim3A_585 = vector.shape_cast %reduce_sum3A_584 : vector<1280xf32> to vector<1280x1xf32>
    %div3A_586 = arith.constant 6.400000e+01 : f32
    %div3A_587 = vector.broadcast %div3A_586 : f32 to vector<1280x1xf32>
    %div3A_588 = arith.divf %broadcast_in_dim3A_585, %div3A_587 : vector<1280x1xf32>
    %add3A_589 = arith.constant 9.99999974E-6 : f32
    %add3A_590 = vector.broadcast %add3A_589 : f32 to vector<1280x1xf32>
    %add3A_591 = arith.addf %div3A_588, %add3A_590 : vector<1280x1xf32>
    %rsqrt3A_592 = math.rsqrt %add3A_591 : vector<1280x1xf32>
    %mul3A_593 = vector.broadcast %rsqrt3A_592 : vector<1280x1xf32> to vector<1280x64xf32>
    %mul3A_594 = arith.mulf %sub3A_581, %mul3A_593 : vector<1280x64xf32>
    %get3A_595 = arith.constant 0 : index
    %get3A_596 = arith.constant 0 : index
    %get3A_597 = vector.load %arg15[%get3A_595, %get3A_596] : memref<1x64xf32, #tpu.memory_space<vmem>>, vector<1x64xf32>
    %mul3A_598 = vector.broadcast %get3A_597 : vector<1x64xf32> to vector<1280x64xf32>
    %mul3A_599 = arith.mulf %mul3A_594, %mul3A_598 : vector<1280x64xf32>
    %get3A_600 = arith.constant 0 : index
    %get3A_601 = arith.constant 0 : index
    %get3A_602 = vector.load %arg16[%get3A_600, %get3A_601] : memref<1x64xf32, #tpu.memory_space<vmem>>, vector<1x64xf32>
    %add3A_603 = vector.broadcast %get3A_602 : vector<1x64xf32> to vector<1280x64xf32>
    %add3A_604 = arith.addf %mul3A_599, %add3A_603 : vector<1280x64xf32>
    %get3A_605 = arith.constant 0 : index
    %get3A_606 = arith.constant 4 : index
    %get3A_607 = arith.constant 0 : index
    %get3A_608 = vector.load %arg2[%get3A_605, %get3A_606, %get3A_607] : memref<1x5x1280xi32, #tpu.memory_space<vmem>>, vector<1x1x1280xi32>
    %get3A_609 = vector.shape_cast %get3A_608 : vector<1x1x1280xi32> to vector<1x1280xi32>
    %get3A_610 = arith.constant 0 : index
    %get3A_611 = arith.constant 4 : index
    %get3A_612 = arith.constant 0 : index
    %get3A_613 = vector.load %arg3[%get3A_610, %get3A_611, %get3A_612] : memref<1x5x1280xi32, #tpu.memory_space<vmem>>, vector<1x1x1280xi32>
    %get3A_614 = vector.shape_cast %get3A_613 : vector<1x1x1280xi32> to vector<1x1280xi32>
    %get3A_615 = arith.constant 0 : index
    %get3A_616 = arith.constant 4 : index
    %get3A_617 = arith.constant 0 : index
    %get3A_618 = vector.load %arg4[%get3A_615, %get3A_616, %get3A_617] : memref<1x5x1280xi32, #tpu.memory_space<vmem>>, vector<1x1x1280xi32>
    %get3A_619 = vector.shape_cast %get3A_618 : vector<1x1x1280xi32> to vector<1x1280xi32>
    %get3A_620 = arith.constant 0 : index
    %get3A_621 = arith.constant 4 : index
    %get3A_622 = arith.constant 0 : index
    %get3A_623 = vector.load %arg5[%get3A_620, %get3A_621, %get3A_622] : memref<1x5x1280xi32, #tpu.memory_space<vmem>>, vector<1x1x1280xi32>
    %get3A_624 = vector.shape_cast %get3A_623 : vector<1x1x1280xi32> to vector<1x1280xi32>
    %eq3A_625 = vector.broadcast %get3A_609 : vector<1x1280xi32> to vector<32x1280xi32>
    %eq3A_626 = arith.cmpi eq, %eq3A_625, %iota3A : vector<32x1280xi32>
    %jit3A_627 = arith.constant 1.000000e+00 : f32
    %jit3A_628 = arith.constant 0.000000e+00 : f32
    %broadcast_in_dim3A_629 = vector.broadcast %jit3A_627 : f32 to vector<32x1280xf32>
    %broadcast_in_dim3A_630 = vector.broadcast %jit3A_628 : f32 to vector<32x1280xf32>
    %select_n3A_631 = arith.select %eq3A_626, %broadcast_in_dim3A_629, %broadcast_in_dim3A_630 : vector<32x1280xi1>, vector<32x1280xf32>
    %add3A_632 = arith.constant 6 : i32
    %add3A_633 = vector.broadcast %add3A_632 : i32 to vector<1x1280xi32>
    %add3A_634 = arith.addi %get3A_614, %add3A_633 : vector<1x1280xi32>
    %eq3A_635 = vector.broadcast %add3A_634 : vector<1x1280xi32> to vector<32x1280xi32>
    %eq3A_636 = arith.cmpi eq, %eq3A_635, %iota3A : vector<32x1280xi32>
    %jit3A_637 = arith.constant 1.000000e+00 : f32
    %jit3A_638 = arith.constant 0.000000e+00 : f32
    %broadcast_in_dim3A_639 = vector.broadcast %jit3A_637 : f32 to vector<32x1280xf32>
    %broadcast_in_dim3A_640 = vector.broadcast %jit3A_638 : f32 to vector<32x1280xf32>
    %select_n3A_641 = arith.select %eq3A_636, %broadcast_in_dim3A_639, %broadcast_in_dim3A_640 : vector<32x1280xi1>, vector<32x1280xf32>
    %add3A_642 = arith.addf %select_n3A_631, %select_n3A_641 : vector<32x1280xf32>
    %add3A_643 = arith.constant 14 : i32
    %add3A_644 = vector.broadcast %add3A_643 : i32 to vector<1x1280xi32>
    %add3A_645 = arith.addi %get3A_619, %add3A_644 : vector<1x1280xi32>
    %eq3A_646 = vector.broadcast %add3A_645 : vector<1x1280xi32> to vector<32x1280xi32>
    %eq3A_647 = arith.cmpi eq, %eq3A_646, %iota3A : vector<32x1280xi32>
    %jit3A_648 = arith.constant 1.000000e+00 : f32
    %jit3A_649 = arith.constant 0.000000e+00 : f32
    %broadcast_in_dim3A_650 = vector.broadcast %jit3A_648 : f32 to vector<32x1280xf32>
    %broadcast_in_dim3A_651 = vector.broadcast %jit3A_649 : f32 to vector<32x1280xf32>
    %select_n3A_652 = arith.select %eq3A_647, %broadcast_in_dim3A_650, %broadcast_in_dim3A_651 : vector<32x1280xi1>, vector<32x1280xf32>
    %add3A_653 = arith.addf %add3A_642, %select_n3A_652 : vector<32x1280xf32>
    %add3A_654 = arith.constant 20 : i32
    %add3A_655 = vector.broadcast %add3A_654 : i32 to vector<1x1280xi32>
    %add3A_656 = arith.addi %get3A_624, %add3A_655 : vector<1x1280xi32>
    %eq3A_657 = vector.broadcast %add3A_656 : vector<1x1280xi32> to vector<32x1280xi32>
    %eq3A_658 = arith.cmpi eq, %eq3A_657, %iota3A : vector<32x1280xi32>
    %jit3A_659 = arith.constant 1.000000e+00 : f32
    %jit3A_660 = arith.constant 0.000000e+00 : f32
    %broadcast_in_dim3A_661 = vector.broadcast %jit3A_659 : f32 to vector<32x1280xf32>
    %broadcast_in_dim3A_662 = vector.broadcast %jit3A_660 : f32 to vector<32x1280xf32>
    %select_n3A_663 = arith.select %eq3A_658, %broadcast_in_dim3A_661, %broadcast_in_dim3A_662 : vector<32x1280xi1>, vector<32x1280xf32>
    %add3A_664 = arith.addf %add3A_653, %select_n3A_663 : vector<32x1280xf32>
    %get3A_665 = arith.constant 0 : index
    %get3A_666 = arith.constant 4 : index
    %get3A_667 = arith.constant 0 : index
    %get3A_668 = vector.load %arg7[%get3A_665, %get3A_666, %get3A_667] : memref<1x5x1280xi32, #tpu.memory_space<vmem>>, vector<1x1x1280xi32>
    %get3A_669 = vector.shape_cast %get3A_668 : vector<1x1x1280xi32> to vector<1x1280xi32>
    %abs3A_670 = math.absi %get3A_669 : vector<1x1280xi32>
    %jit3A_671 = arith.constant 0 : i32
    %jit3A_672 = arith.constant 364 : i32
    %max3A_673 = vector.broadcast %jit3A_671 : i32 to vector<1x1280xi32>
    %max3A_674 = arith.maxsi %max3A_673, %abs3A_670 : vector<1x1280xi32>
    %min3A_675 = vector.broadcast %jit3A_672 : i32 to vector<1x1280xi32>
    %min3A_676 = arith.minsi %min3A_675, %max3A_674 : vector<1x1280xi32>
    %convert_element_type3A_677 = arith.sitofp %min3A_676 : vector<1x1280xi32> to vector<1x1280xf32>
    %get3A_678 = arith.constant 0 : index
    %get3A_679 = arith.constant 0 : index
    %get3A_680 = vector.load %arg14[%get3A_678, %get3A_679] : memref<32x2xf32, #tpu.memory_space<vmem>>, vector<32x1xf32>
    %mul3A_681 = vector.broadcast %convert_element_type3A_677 : vector<1x1280xf32> to vector<32x1280xf32>
    %mul3A_682 = vector.broadcast %get3A_680 : vector<32x1xf32> to vector<32x1280xf32>
    %mul3A_683 = arith.mulf %mul3A_681, %mul3A_682 : vector<32x1280xf32>
    %get3A_684 = arith.constant 0 : index
    %get3A_685 = arith.constant 1 : index
    %get3A_686 = vector.load %arg14[%get3A_684, %get3A_685] : memref<32x2xf32, #tpu.memory_space<vmem>>, vector<32x1xf32>
    %add3A_687 = vector.broadcast %get3A_686 : vector<32x1xf32> to vector<32x1280xf32>
    %add3A_688 = arith.addf %mul3A_683, %add3A_687 : vector<32x1280xf32>
    %sin3A_689 = math.sin %add3A_688 : vector<32x1280xf32>
    %get3A_690 = arith.constant 0 : index
    %get3A_691 = arith.constant 4 : index
    %get3A_692 = arith.constant 0 : index
    %get3A_693 = vector.load %arg6[%get3A_690, %get3A_691, %get3A_692] : memref<1x5x1280xf32, #tpu.memory_space<vmem>>, vector<1x1x1280xf32>
    %get3A_694 = vector.shape_cast %get3A_693 : vector<1x1x1280xf32> to vector<1x1280xf32>
    %get3A_695 = arith.constant 0 : index
    %get3A_696 = arith.constant 0 : index
    %get3A_697 = vector.load %arg13[%get3A_695, %get3A_696] : memref<32x1xf32, #tpu.memory_space<vmem>>, vector<32x1xf32>
    %mul3A_698 = vector.broadcast %get3A_694 : vector<1x1280xf32> to vector<32x1280xf32>
    %mul3A_699 = vector.broadcast %get3A_697 : vector<32x1xf32> to vector<32x1280xf32>
    %mul3A_700 = arith.mulf %mul3A_698, %mul3A_699 : vector<32x1280xf32>
    %add3A_701 = arith.addf %sin3A_689, %mul3A_700 : vector<32x1280xf32>
    %get3A_702 = arith.constant 0 : index
    %get3A_703 = arith.constant 4 : index
    %get3A_704 = arith.constant 0 : index
    %get3A_705 = vector.load %arg8[%get3A_702, %get3A_703, %get3A_704] : memref<1x5x1280xf32, #tpu.memory_space<vmem>>, vector<1x1x1280xf32>
    %get3A_706 = vector.shape_cast %get3A_705 : vector<1x1x1280xf32> to vector<1x1280xf32>
    %get3A_707 = arith.constant 0 : index
    %get3A_708 = arith.constant 4 : index
    %get3A_709 = arith.constant 0 : index
    %get3A_710 = vector.load %arg9[%get3A_707, %get3A_708, %get3A_709] : memref<1x5x1280xf32, #tpu.memory_space<vmem>>, vector<1x1x1280xf32>
    %get3A_711 = vector.shape_cast %get3A_710 : vector<1x1x1280xf32> to vector<1x1280xf32>
    %get3A_712 = arith.constant 0 : index
    %get3A_713 = arith.constant 4 : index
    %get3A_714 = arith.constant 0 : index
    %get3A_715 = vector.load %arg10[%get3A_712, %get3A_713, %get3A_714] : memref<1x5x1280xf32, #tpu.memory_space<vmem>>, vector<1x1x1280xf32>
    %get3A_716 = vector.shape_cast %get3A_715 : vector<1x1x1280xf32> to vector<1x1280xf32>
    %broadcast_in_dim3A_717 = arith.constant 1.000000e+00 : f32
    %broadcast_in_dim3A_718 = vector.broadcast %broadcast_in_dim3A_717 : f32 to vector<1x1280xf32>
    %concatenate3A_719 = tpu.concatenate %add3A_664, %add3A_701, %get3A_706, %get3A_711, %get3A_716, %broadcast_in_dim3A_718 in 0 : vector<32x1280xf32>, vector<32x1280xf32>, vector<1x1280xf32>, vector<1x1280xf32>, vector<1x1280xf32>, vector<1x1280xf32> -> vector<68x1280xf32>
    %convert_element_type3A_720 = arith.truncf %concatenate3A_719 : vector<68x1280xf32> to vector<68x1280xbf16>
    %dot_general3A_721 = arith.constant dense<0.000000e+00> : vector<1280x64xf32>
    %dot_general3A_722 = tpu.matmul %convert_element_type3A_720, %convert_element_type3A_5, %dot_general3A_721 {dimension_numbers = #tpu.dot_dimension_numbers<[0], [0], [1], [1], [0, 1, 1, 1], [], []>, transpose_lhs_hint = false} : vector<68x1280xbf16>, vector<68x64xbf16>, vector<1280x64xf32> -> vector<1280x64xf32>
    %slice3A_723 = vector.extract_strided_slice %convert_element_type3A {offsets = [5120, 0], sizes = [1280, 32], strides = [1, 1]} : vector<6400x32xbf16> to vector<1280x32xbf16>
    %dot_general3A_724 = arith.constant dense<0.000000e+00> : vector<1280x64xf32>
    %dot_general3A_725 = tpu.matmul %slice3A_723, %convert_element_type3A_9, %dot_general3A_724 {dimension_numbers = #tpu.dot_dimension_numbers<[1], [0], [0], [1], [0, 0, 1, 1], [], []>, transpose_lhs_hint = false} : vector<1280x32xbf16>, vector<32x64xbf16>, vector<1280x64xf32> -> vector<1280x64xf32>
    %add3A_726 = arith.addf %dot_general3A_722, %dot_general3A_725 : vector<1280x64xf32>
    %reduce_sum3A_727 = arith.constant dense<0.000000e+00> : vector<1280xf32>
    %reduce_sum3A_728 = vector.multi_reduction <add>, %add3A_726, %reduce_sum3A_727 [1] : vector<1280x64xf32> to vector<1280xf32>
    %broadcast_in_dim3A_729 = vector.shape_cast %reduce_sum3A_728 : vector<1280xf32> to vector<1280x1xf32>
    %div3A_730 = arith.constant 6.400000e+01 : f32
    %div3A_731 = vector.broadcast %div3A_730 : f32 to vector<1280x1xf32>
    %div3A_732 = arith.divf %broadcast_in_dim3A_729, %div3A_731 : vector<1280x1xf32>
    %sub3A_733 = vector.broadcast %div3A_732 : vector<1280x1xf32> to vector<1280x64xf32>
    %sub3A_734 = arith.subf %add3A_726, %sub3A_733 : vector<1280x64xf32>
    %mul3A_735 = arith.mulf %sub3A_734, %sub3A_734 : vector<1280x64xf32>
    %reduce_sum3A_736 = arith.constant dense<0.000000e+00> : vector<1280xf32>
    %reduce_sum3A_737 = vector.multi_reduction <add>, %mul3A_735, %reduce_sum3A_736 [1] : vector<1280x64xf32> to vector<1280xf32>
    %broadcast_in_dim3A_738 = vector.shape_cast %reduce_sum3A_737 : vector<1280xf32> to vector<1280x1xf32>
    %div3A_739 = arith.constant 6.400000e+01 : f32
    %div3A_740 = vector.broadcast %div3A_739 : f32 to vector<1280x1xf32>
    %div3A_741 = arith.divf %broadcast_in_dim3A_738, %div3A_740 : vector<1280x1xf32>
    %add3A_742 = arith.constant 9.99999974E-6 : f32
    %add3A_743 = vector.broadcast %add3A_742 : f32 to vector<1280x1xf32>
    %add3A_744 = arith.addf %div3A_741, %add3A_743 : vector<1280x1xf32>
    %rsqrt3A_745 = math.rsqrt %add3A_744 : vector<1280x1xf32>
    %mul3A_746 = vector.broadcast %rsqrt3A_745 : vector<1280x1xf32> to vector<1280x64xf32>
    %mul3A_747 = arith.mulf %sub3A_734, %mul3A_746 : vector<1280x64xf32>
    %get3A_748 = arith.constant 0 : index
    %get3A_749 = arith.constant 0 : index
    %get3A_750 = vector.load %arg15[%get3A_748, %get3A_749] : memref<1x64xf32, #tpu.memory_space<vmem>>, vector<1x64xf32>
    %mul3A_751 = vector.broadcast %get3A_750 : vector<1x64xf32> to vector<1280x64xf32>
    %mul3A_752 = arith.mulf %mul3A_747, %mul3A_751 : vector<1280x64xf32>
    %get3A_753 = arith.constant 0 : index
    %get3A_754 = arith.constant 0 : index
    %get3A_755 = vector.load %arg16[%get3A_753, %get3A_754] : memref<1x64xf32, #tpu.memory_space<vmem>>, vector<1x64xf32>
    %add3A_756 = vector.broadcast %get3A_755 : vector<1x64xf32> to vector<1280x64xf32>
    %add3A_757 = arith.addf %mul3A_752, %add3A_756 : vector<1280x64xf32>
    %concatenate3A_758 = tpu.concatenate %add3A_145, %add3A_298, %add3A_451, %add3A_604, %add3A_757 in 0 : vector<1280x64xf32>, vector<1280x64xf32>, vector<1280x64xf32>, vector<1280x64xf32>, vector<1280x64xf32> -> vector<6400x64xf32>
    %reshape3A = vector.shape_cast %concatenate3A_758 : vector<6400x64xf32> to vector<32x200x64xf32>
    %swap3A = arith.constant 0 : index
    %swap3A_759 = arith.constant 0 : index
    %swap3A_760 = arith.constant 0 : index
    %swap3A_761 = vector.load %arg17[%swap3A, %swap3A_759, %swap3A_760] : memref<32x200x64xf32, #tpu.memory_space<vmem>>, vector<32x200x64xf32>
    tpu.vector_store %arg17[%swap3A, %swap3A_759, %swap3A_760], %reshape3A {strides = array<i32>} : memref<32x200x64xf32, #tpu.memory_space<vmem>>, vector<32x200x64xf32>,
    return
  }
  func.func @transform_0(%arg0: i32) -> (i32, i32) {
    %c0_i32 = arith.constant 0 : i32
    %c0_i32_0 = arith.constant 0 : i32
    return %arg0, %c0_i32 : i32, i32
  }
  func.func @transform_1(%arg0: i32) -> (i32, i32, i32) {
    %c0_i32 = arith.constant 0 : i32
    %c0_i32_0 = arith.constant 0 : i32
    %c0_i32_1 = arith.constant 0 : i32
    return %arg0, %c0_i32, %c0_i32_0 : i32, i32, i32
  }
  func.func @transform_2(%arg0: i32) -> (i32, i32, i32) {
    %c0_i32 = arith.constant 0 : i32
    %c0_i32_0 = arith.constant 0 : i32
    %c0_i32_1 = arith.constant 0 : i32
    return %arg0, %c0_i32, %c0_i32_0 : i32, i32, i32
  }
  func.func @transform_3(%arg0: i32) -> (i32, i32, i32) {
    %c0_i32 = arith.constant 0 : i32
    %c0_i32_0 = arith.constant 0 : i32
    %c0_i32_1 = arith.constant 0 : i32
    return %arg0, %c0_i32, %c0_i32_0 : i32, i32, i32
  }
  func.func @transform_4(%arg0: i32) -> (i32, i32, i32) {
    %c0_i32 = arith.constant 0 : i32
    %c0_i32_0 = arith.constant 0 : i32
    %c0_i32_1 = arith.constant 0 : i32
    return %arg0, %c0_i32, %c0_i32_0 : i32, i32, i32
  }
  func.func @transform_5(%arg0: i32) -> (i32, i32, i32) {
    %c0_i32 = arith.constant 0 : i32
    %c0_i32_0 = arith.constant 0 : i32
    %c0_i32_1 = arith.constant 0 : i32
    return %arg0, %c0_i32, %c0_i32_0 : i32, i32, i32
  }
  func.func @transform_6(%arg0: i32) -> (i32, i32, i32) {
    %c0_i32 = arith.constant 0 : i32
    %c0_i32_0 = arith.constant 0 : i32
    %c0_i32_1 = arith.constant 0 : i32
    return %arg0, %c0_i32, %c0_i32_0 : i32, i32, i32
  }
  func.func @transform_7(%arg0: i32) -> (i32, i32, i32) {
    %c0_i32 = arith.constant 0 : i32
    %c0_i32_0 = arith.constant 0 : i32
    %c0_i32_1 = arith.constant 0 : i32
    return %arg0, %c0_i32, %c0_i32_0 : i32, i32, i32
  }
  func.func @transform_8(%arg0: i32) -> (i32, i32, i32) {
    %c0_i32 = arith.constant 0 : i32
    %c0_i32_0 = arith.constant 0 : i32
    %c0_i32_1 = arith.constant 0 : i32
    return %arg0, %c0_i32, %c0_i32_0 : i32, i32, i32
  }
  func.func @transform_9(%arg0: i32) -> (i32, i32, i32) {
    %c0_i32 = arith.constant 0 : i32
    %c0_i32_0 = arith.constant 0 : i32
    %c0_i32_1 = arith.constant 0 : i32
    return %arg0, %c0_i32, %c0_i32_0 : i32, i32, i32
  }
  func.func @transform_10(%arg0: i32) -> (i32, i32) {
    %c0_i32 = arith.constant 0 : i32
    %c0_i32_0 = arith.constant 0 : i32
    %c0_i32_1 = arith.constant 0 : i32
    return %c0_i32, %c0_i32_0 : i32, i32
  }
  func.func @transform_11(%arg0: i32) -> (i32, i32) {
    %c0_i32 = arith.constant 0 : i32
    %c0_i32_0 = arith.constant 0 : i32
    %c0_i32_1 = arith.constant 0 : i32
    return %c0_i32, %c0_i32_0 : i32, i32
  }
  func.func @transform_12(%arg0: i32) -> (i32, i32) {
    %c0_i32 = arith.constant 0 : i32
    %c0_i32_0 = arith.constant 0 : i32
    %c0_i32_1 = arith.constant 0 : i32
    return %c0_i32, %c0_i32_0 : i32, i32
  }
  func.func @transform_13(%arg0: i32) -> (i32, i32) {
    %c0_i32 = arith.constant 0 : i32
    %c0_i32_0 = arith.constant 0 : i32
    %c0_i32_1 = arith.constant 0 : i32
    return %c0_i32, %c0_i32_0 : i32, i32
  }
  func.func @transform_14(%arg0: i32) -> (i32, i32) {
    %c0_i32 = arith.constant 0 : i32
    %c0_i32_0 = arith.constant 0 : i32
    %c0_i32_1 = arith.constant 0 : i32
    return %c0_i32, %c0_i32_0 : i32, i32
  }
  func.func @transform_15(%arg0: i32) -> (i32, i32) {
    %c0_i32 = arith.constant 0 : i32
    %c0_i32_0 = arith.constant 0 : i32
    %c0_i32_1 = arith.constant 0 : i32
    return %c0_i32, %c0_i32_0 : i32, i32
  }
  func.func @transform_16(%arg0: i32) -> (i32, i32, i32) {
    %c0_i32 = arith.constant 0 : i32
    %c0_i32_0 = arith.constant 0 : i32
    %c0_i32_1 = arith.constant 0 : i32
    return %arg0, %c0_i32, %c0_i32_0 : i32, i32, i32
  }
}

</mosaic_0001>

<sc_bundles>
// kernel: kernel.6.cloned.1.call-start
scs
__scs_entry_jumppad:
0x0: {  	(pc) =	sbr.rel $0x88, $3  }
0x1: {  	(tag) =	ssettag $0x0;
	lr =	simm.s32 $0x1  }
0x2: {  	[smem:$0x3F8C] =	sst lr;
	_ =	strace $0xD0000000  }
0x3: {  	_ = 	snop  }
0x4: {  	_ = 	snop  }
0x5: {  	_ = 	snop  }
0x6: {  	_ = 	snop  }
0x7: {  	_ = 	snop  }
__scs_overlays_trampoline_lowered:
0x8: {  	[smem:$0x3F9B] =	sst s0  }
0x9: {  	[smem:$0x3F9C] =	sst s1  }
0xa: {  	[smem:$0x3F9D] =	sst s2  }
0xb: {  	[smem:$0x3F9E] =	sst s3  }
0xc: {  	[smem:$0x3F9F] =	sst s4  }
0xd: {  	[smem:$0x3FA0] =	sst s5  }
0xe: {  	[smem:$0x3FA1] =	sst s6  }
0xf: {  	[smem:$0x3FA2] =	sst s7  }
0x10: {  	[smem:$0x3FA3] =	sst s8  }
0x11: {  	[smem:$0x3FA4] =	sst s9;
	s0 =	simm.s32 @!p0 $0x0  }
0x12: {  	s1 =	sld [smem:$0x3F8A];
	s0 =	simm.s32 @p0 $0x1  }
0x13: {  	[smem:$0x3FA5] =	sst s0;
	s0 =	simm.s32 @!p1 $0x0  }
0x14: {  	s2 =	sld [smem:$0x3F89];
	s0 =	simm.s32 @p1 $0x1  }
0x15: {  	[smem:$0x3FA6] =	sst s0;
	s0 =	simm.s32 @!p2 $0x0  }
0x16: {  	s3 =	sld [smem:$0x3FDB];
	s0 =	simm.s32 @p2 $0x1  }
0x17: {  	s4 =	simm.s32 $0x1BF5;
	[smem:$0x3FA8] =	sst s0  }
0x18: {  	s0 =	sld [smem:$0x3F8B];
	_ =	swait.ge [sflag:s4], $0x0  }
0x19: {  	s7 =	sld [smem:$0x3F8C]  }
0x1a: {  	s8 =	sadd.s32 $0xFFFFE003, lr  }
0x1b: {  	s9 =	sadd.s32 $0xFFFFFEF7, lr;
	s5 =	simm.s32 $0xFFFFFFFF;
	p2 =	slt.u32 s8, $0xFFFFF086  }
0x1c: {  	p1 =	slt.u32 s9, $0xF7A;
	s5 =	simm.s32 @!p2 $0x0  }
0x1d: {  	s5 =	simm.s32 @p1 $0x1;
	p0 =	seq.s32 s7, s2  }
0x1e: {  	s7 =	smul.u32 @!p0 $0xF7A, s2;
	p2 =	seq.s32 @!p0 s5, $0x0  }
0x1f: {  	s9 =	smul.u32 $0xF7A, s1;
	s8 =	simm.s32 @!p0 $0x1BF5;
	p2 =	por !p2, p0  }
0x20: {  	[sflag:s8] =	ssyncset.s32 @!p0 $0xFFFFF086;
	s6 =	sadd.s32 @!p0 s3, s7;
	s7 =	simm.s32 @!p0 $0x108  }
0x21: {  	s3 =	sadd.s32 s3, s9;
	s6 =	sadd.s32 @!p0 $0x88, s6;
	s7 =	simm.s32 @p2 $0x1082  }
0x22: {  	[simem:s7], [sflag:s8] =	dma.local @!p0 [hbm:s6], $0xF7A  }
0x23: {  	s9 =	sor.u32 $0xD0000000, s2;
	s6 =	simm.s32 $0x108;
	_ =	swait.ge @!p0 [sflag:s8], $0x0  }
0x24: {  	s3 =	sadd.s32 $0x88, s3;
	s6 =	simm.s32 @!p1 $0x1082;
	[sflag:s4] =	ssyncset.s32 $0xFFFFF086  }
0x25: {  	[simem:s6], [sflag:s4] =	dma.local [hbm:s3], $0xF7A  }
0x26: {  	[smem:$0x3F8C] =	sst s1;
	(tag) =	ssettag s2;
	_ =	strace s9  }
0x27: {  	s1 =	sld [smem:$0x3F9C]  }
0x28: {  	s2 =	sld [smem:$0x3F9D]  }
0x29: {  	s4 =	sld [smem:$0x3F9F]  }
0x2a: {  	p0 =	seq.s32 s5, $0x0;
	s5 =	sld [smem:$0x3FA0]  }
0x2b: {  	s6 =	sld [smem:$0x3FA1]  }
0x2c: {  	s7 =	sld [smem:$0x3FA2]  }
0x2d: {  	s3 =	simm.s32 $0x108;
	s8 =	sld [smem:$0x3FA3]  }
0x2e: {  	s3 =	simm.s32 @!p0 $0x1082;
	s9 =	sld [smem:$0x3FA4]  }
0x2f: {  	lr =	sadd.s32 s0, s3;
	s0 =	sld [smem:$0x3F9B]  }
0x30: {  	s3 =	sld [smem:$0x3F9E]  }
0x31: {  	[smem:$0x3FA7] =	sst s10  }
0x32: {  	s10 =	sld [smem:$0x3FA5];
	_ =	sdelay $0x3  }
0x33: {  	p0 =	seq.s32 s10, $0x1;
	s10 =	sld [smem:$0x3FA7];
	_ =	sdelay $0x3  }
0x34: {  	[smem:$0x3FA7] =	sst s10  }
0x35: {  	s10 =	sld [smem:$0x3FA6];
	_ =	sdelay $0x3  }
0x36: {  	p1 =	seq.s32 s10, $0x1;
	s10 =	sld [smem:$0x3FA7];
	_ =	sdelay $0x3  }
0x37: {  	[smem:$0x3FA7] =	sst s10  }
0x38: {  	s10 =	sld [smem:$0x3FA8]  }
0x39: {  	_ = 	snop;
	(pc) =	sbr.ind lr, $3  }
0x3a: {  	_ = 	snop  }
0x3b: {  	_ = 	snop  }
0x3c: {  	p2 =	seq.s32 s10, $0x1;
	s10 =	sld [smem:$0x3FA7]  }
0x3d: {  	_ =	shalt  }
0x3e: {  	_ =	shalt  }
0x3f: {  	_ =	shalt  }
0x40: {  	_ =	shalt  }
0x41: {  	_ =	shalt  }
0x42: {  	_ =	shalt  }
0x43: {  	_ =	shalt  }
0x44: {  	_ =	shalt  }
0x45: {  	_ =	shalt  }
0x46: {  	_ =	shalt  }
0x47: {  	_ =	shalt  }
0x48: {  	_ =	shalt  }
0x49: {  	_ =	shalt  }
0x4a: {  	_ =	shalt  }
0x4b: {  	_ =	shalt  }
0x4c: {  	_ =	shalt  }
0x4d: {  	_ =	shalt  }
0x4e: {  	_ =	shalt  }
0x4f: {  	_ =	shalt  }
0x50: {  	_ =	shalt  }
0x51: {  	_ =	shalt  }
0x52: {  	_ =	shalt  }
0x53: {  	_ =	shalt  }
0x54: {  	_ =	shalt  }
0x55: {  	_ =	shalt  }
0x56: {  	_ =	shalt  }
0x57: {  	_ =	shalt  }
0x58: {  	_ =	shalt  }
0x59: {  	_ =	shalt  }
0x5a: {  	_ =	shalt  }
0x5b: {  	_ =	shalt  }
0x5c: {  	_ =	shalt  }
0x5d: {  	_ =	shalt  }
0x5e: {  	_ =	shalt  }
0x5f: {  	_ =	shalt  }
0x60: {  	_ =	shalt  }
0x61: {  	_ =	shalt  }
0x62: {  	_ =	shalt  }
0x63: {  	_ =	shalt  }
0x64: {  	_ =	shalt  }
0x65: {  	_ =	shalt  }
0x66: {  	_ =	shalt  }
0x67: {  	_ =	shalt  }
0x68: {  	_ =	shalt  }
0x69: {  	_ =	shalt  }
0x6a: {  	_ =	shalt  }
0x6b: {  	_ =	shalt  }
0x6c: {  	_ =	shalt  }
0x6d: {  	_ =	shalt  }
0x6e: {  	_ =	shalt  }
0x6f: {  	_ =	shalt  }
0x70: {  	_ =	shalt  }
0x71: {  	_ =	shalt  }
0x72: {  	_ =	shalt  }
0x73: {  	_ =	shalt  }
0x74: {  	_ =	shalt  }
0x75: {  	_ =	shalt  }
0x76: {  	_ =	shalt  }
0x77: {  	_ =	shalt  }
0x78: {  	_ =	shalt  }
0x79: {  	_ =	shalt  }
0x7a: {  	_ =	shalt  }
0x7b: {  	_ =	shalt  }
0x7c: {  	_ =	shalt  }
0x7d: {  	_ =	shalt  }
0x7e: {  	_ =	shalt  }
0x7f: {  	_ =	shalt  }
0x80: {  	_ =	shalt  }
0x81: {  	_ =	shalt  }
0x82: {  	_ =	shalt  }
0x83: {  	_ =	shalt  }
0x84: {  	_ =	shalt  }
0x85: {  	_ =	shalt  }
0x86: {  	_ =	shalt  }
0x87: {  	_ =	shalt  }
.Lfunc_end0:
.L_simem_size_0:
called_computation.1_lowered:
.L_overlay_start_0:
0x88: {  	s2 =	sld [smem:$0x3FD9]  }
0x89: {  	s3 =	sld [smem:$0x3FFE];
	_ =	sdelay $0x1  }
0x8a: {  	s1 =	srdreg.scid  }
0x8b: {  	s0 =	sand.u32 $0x1, s1  }
0x8c: {  	s17 =	sshll.u32 s0, $0xA;
	s2 =	sadd.s32 s3, s2  }
0x8d: {  	s2 =	sadd.s32 s2, s17  }
0x8e: {  	[smem:$0x3FB3] =	sst s2  }
0x8f: {  	_ = 	snop  }
0x90: {  	s2 =	sld [smem:$0x3FD0];
	(tm) =	ssettm $0x1  }
0x91: {  	s18 =	sld [smem:$0x3FFB];
	_ =	sdelay $0x3  }
0x92: {  	_ =	strace s18  }
0x93: {  	s3 =	sld [smem:$0x3FFC];
	_ =	sdelay $0x3  }
0x94: {  	_ =	strace s3  }
0x95: {  	s3 =	sld [smem:$0x3FFD];
	_ =	sdelay $0x3  }
0x96: {  	_ =	strace s3  }
0x97: {  	_ =	strace $0x8FFFFFFF  }
0x98: {  	s19 =	sld [smem:$0x3FDB];
	_ =	sdelay $0x1  }
0x99: {  	s4 =	simm.s32 $_scs_section_size  }
0x9a: {  	s5 =	simm.s32 $_size__tile_overlayer_lowered;
	s6 =	simm.s32 $_tile_overlayer_lowered  }
0x9b: {  	s22 =	simm.s32 $0x1BFF;
	s21 =	sshll.u32 s6, $0x1;
	s3 =	sadd.s32 s4, s19  }
0x9c: {  	s7 =	simm.s32 $0x0;
	s20 =	sshll.u32 s5, $0x1;
	s5 =	sadd.s32 s21, s3  }
0x9d: {  	[timem:s7], [sflag:s22] =	dma.local [hbm:s5], s20  }
0x9e: {  	_ =	swait.ge [sflag:s22], s20  }
0x9f: {  	s4 =	ssub.s32 $0x0, s20;
	[sflag:s22] =	ssyncset.done $0x0  }
0xa0: {  	[sflag:s22] =	ssyncadd.s32 s4;
	_ =	sdelay $0x1  }
0xa1: {  	s23 =	simm.s32 $0x1B8B  }
0xa2: {  	_ =	swait.ge [sflag:s23], $0x1  }
0xa3: {  	[sflag:s23] =	ssyncset.done $0x0  }
0xa4: {  	s25 =	simm.s32 $0x1B8E;
	s24 =	sld [smem:$0x3FFE];
	[sflag:s23] =	ssyncadd.s32 $0xFFFFFFFF  }
0xa5: {  	s26 =	simm.s32 $execute0_lowered;
	[smem:$0x3FD2] =	sst s25  }
0xa6: {  	s5 =	sshll.u32 s26, $0x1;
	_ =	strace $0x80000046;
	[dreg:$0x1] =	wrdreg $0xFFFFFFFF  }
0xa7: {  	s28 =	simm.s32 $_size_execute0_lowered;
	s3 =	sadd.s32 s3, s5;
	[dreg:$0x0] =	wrdreg $0x0  }
0xa8: {  	s5 =	sshll.u32 s28, $0x1;
	[dreg:$0x2] =	wrdreg s3  }
0xa9: {  	[dreg:$0x3] =	wrdreg s5  }
0xaa: {  	[dreg:$0x4] =	wrdreg $0xC0  }
0xab: {  	_ =	task [dreg:s7], $0x5FFFF  }
0xac: {  	[dreg:$0x1] =	wrdreg $0xFFFFFFFF  }
0xad: {  	[dreg:$0x0] =	wrdreg $0x60  }
0xae: {  	[dreg:$0x2] =	wrdreg s24  }
0xaf: {  	[dreg:$0x3] =	wrdreg s2  }
0xb0: {  	[dreg:$0x4] =	wrdreg $0x9  }
0xb1: {  	_ =	task.clear_ibuf [dreg:s7], $0x5FFFF;
	_ =	strace $0x90000046  }
0xb2: {  	s29 =	simm.s32 $0x9;
	_ =	strace $0x80000048  }
0xb3: {  	_ =	swait.ge [sflag:s29], $0x1  }
0xb4: {  	[sflag:s29] =	ssyncadd.s32 $0xFFFFFFFF  }
0xb5: {  	_ =	strace $0x90000048  }
0xb6: {  	_ =	sfence  }
0xb7: {  	s30 =	sld [smem:$0x0];
	_ =	sdelay $0x2  }
0xb8: {  	s31 =	sshll.u32 s1, $0xD;
	s1 =	sshrl.u32 s1, $0x2  }
0xb9: {  	s3 =	sand.u32 $0x4000, s31;
	s1 =	sadd.s32 s1, s30  }
0xba: {  	s0 =	sor.u32 s3, s0;
	s1 =	sshll.u32 s1, $0x11  }
0xbb: {  	s0 =	sor.u32 s1, s0  }
0xbc: {  	s0 =	sadd.s32 $0x8F2B, s0  }
0xbd: {  	[sflag:s0] =	ssyncadd.remote.s32 $0x1  }
0xbe: {  	_ =	sfence.sel $0xFFFF  }
0xbf: {  	[dreg:$0x0] =	wrdreg $0xFFFFFFFF;
	(pc) =	sbr.abs _section_cstart, $3  }
0xc0: {  	[dreg:$0x1] =	wrdreg $0xFFFFFFFF  }
0xc1: {  	_ =	task.clear_ibuf [dreg:s7], $0x2FFFF;
	_ =	strace $0x9FFFFFFF  }
0xc2: {  	(tm) =	ssettm $0x7FFFFFFF  }
0xc3: {  	_ =	shalt  }
tec
execute0_lowered:
.L_overlay_start_1:
0x0: {  	(tag) =	ssettag $0x1  }
0x1: {  	s4 =	rddreg [dreg:$0x0];
	s1 =	srdreg.scid  }
0x2: {  	s0 =	stileid.u32;
	s5 =	rddreg [dreg:$0x1];
	s2 =	simm.s32 $0x0  }
0x3: {  	s11 =	simm.s32 $0x100;
	s12 =	simm.s32 $0x2200;
	s13 =	simm.s32 $0x180  }
0x4: {  	s14 =	simm.s32 $0x3200;
	s15 =	simm.s32 $0x1;
	s6 =	smul.u32 $0x6400, s0  }
0x5: {  	s3 =	sand.u32 $0x1, s1;
	s1 =	rddreg [dreg:$0x2];
	s8 =	smul.u32 $0xC8000, s0  }
0x6: {  	s16 =	simm.s32 $0x0;
	[smem:$0x7FF] =	sst s2;
	s7 =	smul.u32 $0x3200, s3  }
0x7: {  	_ =	strace $0x80000047;
	s9 =	ssub.s32 $0x2, s3;
	s10 =	smul.u32 $0x64000, s3  }
0x8: {  	s3 =	sadd.s32 $0x13600, s4;
	s30 =	sshrl.u32 s9, $0x1;
	s6 =	sadd.s32 s7, s6  }
0x9: {  	s7 =	ssub.s32 s9, s30;
	s8 =	sadd.s32 s10, s8;
	s9 =	simm.s32 $0x200  }
0xa: {  	s10 =	simm.s32 $0x1200;
	s6 =	sshrl.u32 s6, $0x3;
	s31 =	sshrl.u32 s8, $0x3  }
0xb: {  	s8 =	simm.s32 $0x80;
	s6 =	sadd.s32 s6, s4;
	s4 =	smax.u32 s7, $0x1  }
0xc: {  	s5 =	sadd.s32 s31, s5;
	s7 =	simm.s32 $0x2;
	s6 =	sadd.s32 $0x6E00, s6  }
.LBB2_1:
0xd: {  	s17 =	sadd.s32 $0x0, s6  }
0xe: {  	[tilespmem:s2], [sflag:$0x2] =	stream.linear.gather [hbm4b:s17+s2], $0x200, $0x38;
	[tilespmem:$0x4200] =	vst v63  }
0xf: {  	_ =	swait.ge [sflag:s7], $0x200  }
0x10: {  	[sflag:s7] =	ssyncset.done $0x0  }
0x11: {  	[sflag:s7] =	ssyncadd.s32 $0xFFFFFE00  }
0x12: {  	[tilespmem:s9], [sflag:$0x1] =	stream.indirect.gather [hbm4b:s3+s8], $0x20, s2, s8, $0xb8;
	[tilespmem:$0x4200] =	vst v63  }
0x13: {  	_ = 	snop  }
0x14: {  	[tilespmem:s10], [sflag:$0x1] =	stream.indirect.gather [hbm4b:s3+s8], $0x20, s8, s8, $0xb8;
	[tilespmem:$0x4200] =	vst v63  }
0x15: {  	_ = 	snop  }
0x16: {  	[tilespmem:s12], [sflag:$0x1] =	stream.indirect.gather [hbm4b:s3+s8], $0x20, s11, s8, $0xb8;
	[tilespmem:$0x4200] =	vst v63  }
0x17: {  	_ = 	snop  }
0x18: {  	[tilespmem:s14], [sflag:$0x1] =	stream.indirect.gather [hbm4b:s3+s8], $0x20, s13, s8, $0xb8;
	[tilespmem:$0x4200] =	vst v63  }
0x19: {  	_ =	swait.ge [sflag:s15], $0x1000  }
0x1a: {  	[sflag:s15] =	ssyncset.done $0x0  }
0x1b: {  	[sflag:s15] =	ssyncadd.s32 $0xFFFFF000  }
0x1c: {  	_ =	swait.ge [sflag:s15], $0x1000  }
0x1d: {  	[sflag:s15] =	ssyncset.done $0x0  }
0x1e: {  	[sflag:s15] =	ssyncadd.s32 $0xFFFFF000  }
0x1f: {  	_ =	swait.ge [sflag:s15], $0x1000  }
0x20: {  	[sflag:s15] =	ssyncset.done $0x0  }
0x21: {  	[sflag:s15] =	ssyncadd.s32 $0xFFFFF000  }
0x22: {  	_ =	swait.ge [sflag:s15], $0x1000  }
0x23: {  	[sflag:s15] =	ssyncset.done $0x0  }
0x24: {  	[sflag:s15] =	ssyncadd.s32 $0xFFFFF000  }
0x25: {  	[hbm4b:s5+s2] =	stream.linear.scatter [tilespmem:s9], [sflag:$0x2], $0x4000, $0x38;
	[tilespmem:$0x4200] =	vst v63  }
0x26: {  	s18 =	simm.s32 $0x40;
	_ =	swait.ge [sflag:s7], $0x4000  }
0x27: {  	s19 =	simm.s32 $0x80;
	s17 =	sadd.s32 $0x800, s5;
	[sflag:s7] =	ssyncset.done $0x0  }
.LBB2_2:
0x28: {  	s20 =	sadd.s32 s18, s6  }
0x29: {  	[sflag:s7] =	ssyncadd.s32 $0xFFFFC000;
	s18 =	smov.u32 s19;
	s21 =	sadd.s32 $0x40, s19  }
0x2a: {  	[tilespmem:s2], [sflag:$0x2] =	stream.linear.gather [hbm4b:s20+s2], $0x200, $0x38;
	[tilespmem:$0x4200] =	vst v63  }
0x2b: {  	p0 =	sne.s32 s19, $0x600;
	_ =	swait.ge [sflag:s7], $0x200  }
0x2c: {  	[sflag:s7] =	ssyncset.done $0x0  }
0x2d: {  	[sflag:s7] =	ssyncadd.s32 $0xFFFFFE00  }
0x2e: {  	[tilespmem:s9], [sflag:$0x1] =	stream.indirect.gather [hbm4b:s3+s8], $0x20, s2, s8, $0xb8;
	[tilespmem:$0x4200] =	vst v63  }
0x2f: {  	_ = 	snop  }
0x30: {  	[tilespmem:s10], [sflag:$0x1] =	stream.indirect.gather [hbm4b:s3+s8], $0x20, s8, s8, $0xb8;
	[tilespmem:$0x4200] =	vst v63  }
0x31: {  	_ = 	snop  }
0x32: {  	[tilespmem:s12], [sflag:$0x1] =	stream.indirect.gather [hbm4b:s3+s8], $0x20, s11, s8, $0xb8;
	[tilespmem:$0x4200] =	vst v63  }
0x33: {  	_ = 	snop  }
0x34: {  	[tilespmem:s14], [sflag:$0x1] =	stream.indirect.gather [hbm4b:s3+s8], $0x20, s13, s8, $0xb8;
	[tilespmem:$0x4200] =	vst v63  }
0x35: {  	_ =	swait.ge [sflag:s15], $0x1000  }
0x36: {  	[sflag:s15] =	ssyncset.done $0x0  }
0x37: {  	[sflag:s15] =	ssyncadd.s32 $0xFFFFF000  }
0x38: {  	_ =	swait.ge [sflag:s15], $0x1000  }
0x39: {  	[sflag:s15] =	ssyncset.done $0x0  }
0x3a: {  	[sflag:s15] =	ssyncadd.s32 $0xFFFFF000  }
0x3b: {  	_ =	swait.ge [sflag:s15], $0x1000  }
0x3c: {  	[sflag:s15] =	ssyncset.done $0x0  }
0x3d: {  	[sflag:s15] =	ssyncadd.s32 $0xFFFFF000  }
0x3e: {  	_ =	swait.ge [sflag:s15], $0x1000  }
.Ltmp0:
0x3f: {  	[sflag:s15] =	ssyncset.done $0x0;
	(pc) =	sbr.rel @p0 .LBB2_2-.Ltmp0, $4  }
0x40: {  	[sflag:s15] =	ssyncadd.s32 $0xFFFFF000  }
0x41: {  	[hbm4b:s17+s2] =	stream.linear.scatter [tilespmem:s9], [sflag:$0x2], $0x4000, $0x38;
	[tilespmem:$0x4200] =	vst v63  }
0x42: {  	_ =	swait.ge [sflag:s7], $0x4000  }
0x43: {  	s19 =	smov.u32 s21;
	s17 =	sadd.s32 $0x800, s17;
	[sflag:s7] =	ssyncset.done $0x0  }
0x44: {  	s18 =	sadd.s32 s18, s6;
	[sflag:s7] =	ssyncadd.s32 $0xFFFFC000  }
0x45: {  	[tilespmem:s2], [sflag:$0x2] =	stream.linear.gather [hbm4b:s18+s2], $0x200, $0x38;
	[tilespmem:$0x4200] =	vst v63  }
0x46: {  	_ =	swait.ge [sflag:s7], $0x200  }
0x47: {  	[sflag:s7] =	ssyncset.done $0x0  }
0x48: {  	[sflag:s7] =	ssyncadd.s32 $0xFFFFFE00  }
0x49: {  	[tilespmem:s9], [sflag:$0x1] =	stream.indirect.gather [hbm4b:s3+s8], $0x20, s2, s8, $0xb8;
	[tilespmem:$0x4200] =	vst v63  }
0x4a: {  	_ = 	snop  }
0x4b: {  	[tilespmem:s10], [sflag:$0x1] =	stream.indirect.gather [hbm4b:s3+s8], $0x20, s8, s8, $0xb8;
	[tilespmem:$0x4200] =	vst v63  }
0x4c: {  	_ = 	snop  }
0x4d: {  	[tilespmem:s12], [sflag:$0x1] =	stream.indirect.gather [hbm4b:s3+s8], $0x20, s11, s8, $0xb8;
	[tilespmem:$0x4200] =	vst v63  }
0x4e: {  	_ = 	snop  }
0x4f: {  	[tilespmem:s14], [sflag:$0x1] =	stream.indirect.gather [hbm4b:s3+s8], $0x20, s13, s8, $0xb8;
	[tilespmem:$0x4200] =	vst v63  }
0x50: {  	_ =	swait.ge [sflag:s15], $0x1000  }
0x51: {  	[sflag:s15] =	ssyncset.done $0x0  }
0x52: {  	[sflag:s15] =	ssyncadd.s32 $0xFFFFF000  }
0x53: {  	_ =	swait.ge [sflag:s15], $0x1000  }
0x54: {  	[sflag:s15] =	ssyncset.done $0x0  }
0x55: {  	[sflag:s15] =	ssyncadd.s32 $0xFFFFF000  }
0x56: {  	_ =	swait.ge [sflag:s15], $0x1000  }
0x57: {  	[sflag:s15] =	ssyncset.done $0x0  }
0x58: {  	[sflag:s15] =	ssyncadd.s32 $0xFFFFF000  }
0x59: {  	s16 =	sadd.s32 $0x1, s16;
	_ =	swait.ge [sflag:s15], $0x1000  }
0x5a: {  	p0 =	sne.s32 s16, s4;
	[sflag:s15] =	ssyncset.done $0x0  }
.Ltmp1:
0x5b: {  	[sflag:s15] =	ssyncadd.s32 $0xFFFFF000;
	(pc) =	sbr.rel @p0 .LBB2_1-.Ltmp1, $4  }
0x5c: {  	[hbm4b:s17+s2] =	stream.linear.scatter [tilespmem:s9], [sflag:$0x2], $0x4000, $0x38;
	[tilespmem:$0x4200] =	vst v63  }
0x5d: {  	_ =	swait.ge [sflag:s7], $0x4000  }
0x5e: {  	[sflag:s7] =	ssyncset.done $0x0  }
0x5f: {  	[sflag:s7] =	ssyncadd.s32 $0xFFFFC000  }
0x60: {  	_ =	sfence.sel $0x180000  }
0x61: {  	[bflag:$0x0] =	sbarrier.arrive $0xFFFF  }
0x62: {  	p0 =	sne.s32 s0, $0x0;
	_ =	strace $0x90000047  }
0x63: {  	s0 =	sadd.s32 @!p0 $0x100000, s1;
	[bflag:$0x2] =	sbarrier.arrive $0xFFFF  }
0x64: {  	[sflag:s0] =	ssyncadd.tile.s32 @!p0 $0x1;
	_ =	shalt  }
.Lfunc_end2:
_tile_overlayer_lowered:
.L_overlay_start_2:
0x65: {  	(tag) =	ssettag $0x2  }
0x66: {  	s0 =	rddreg [dreg:$0x0];
	s2 =	stileid.u32  }
0x67: {  	s1 =	rddreg [dreg:$0x1];
	p0 =	sne.s32 s2, $0x0  }
0x68: {  	s3 =	rddreg [dreg:$0x2];
	[bflag:$0x3] =	sbarrier.arrive $0xFFFF;
	s2 =	simm.s32 @!p0 $0x1C02  }
0x69: {  	[timem:s3], [sflag:s2] =	dma.local @!p0 [hbm:s0], s1  }
0x6a: {  	s0 =	simm.s32 @!p0 $0x2  }
0x6b: {  	_ =	swait.ge @!p0 [sflag:s0], s1  }
0x6c: {  	s1 =	ssub.s32 @!p0 $0x0, s1;
	[sflag:s0] =	ssyncset.done @!p0 $0x0  }
0x6d: {  	[sflag:s0] =	ssyncadd.s32 @!p0 s1  }
0x6e: {  	[bflag:$0x3] =	sbarrier.arrive $0xFFFF  }
0x6f: {  	_ =	shalt  }

// kernel: kernel.9.cloned.1.call-start
scs
__scs_entry_jumppad:
0x0: {  	(pc) =	sbr.rel $0x88, $3  }
0x1: {  	(tag) =	ssettag $0x0;
	lr =	simm.s32 $0x1  }
0x2: {  	[smem:$0x3F8C] =	sst lr;
	_ =	strace $0xD0000000  }
0x3: {  	_ = 	snop  }
0x4: {  	_ = 	snop  }
0x5: {  	_ = 	snop  }
0x6: {  	_ = 	snop  }
0x7: {  	_ = 	snop  }
__scs_overlays_trampoline_lowered:
0x8: {  	[smem:$0x3F9B] =	sst s0  }
0x9: {  	[smem:$0x3F9C] =	sst s1  }
0xa: {  	[smem:$0x3F9D] =	sst s2  }
0xb: {  	[smem:$0x3F9E] =	sst s3  }
0xc: {  	[smem:$0x3F9F] =	sst s4  }
0xd: {  	[smem:$0x3FA0] =	sst s5  }
0xe: {  	[smem:$0x3FA1] =	sst s6  }
0xf: {  	[smem:$0x3FA2] =	sst s7  }
0x10: {  	[smem:$0x3FA3] =	sst s8  }
0x11: {  	[smem:$0x3FA4] =	sst s9;
	s0 =	simm.s32 @!p0 $0x0  }
0x12: {  	s1 =	sld [smem:$0x3F8A];
	s0 =	simm.s32 @p0 $0x1  }
0x13: {  	[smem:$0x3FA5] =	sst s0;
	s0 =	simm.s32 @!p1 $0x0  }
0x14: {  	s2 =	sld [smem:$0x3F89];
	s0 =	simm.s32 @p1 $0x1  }
0x15: {  	[smem:$0x3FA6] =	sst s0;
	s0 =	simm.s32 @!p2 $0x0  }
0x16: {  	s3 =	sld [smem:$0x3FDB];
	s0 =	simm.s32 @p2 $0x1  }
0x17: {  	s4 =	simm.s32 $0x1BF5;
	[smem:$0x3FA8] =	sst s0  }
0x18: {  	s0 =	sld [smem:$0x3F8B];
	_ =	swait.ge [sflag:s4], $0x0  }
0x19: {  	s7 =	sld [smem:$0x3F8C]  }
0x1a: {  	s8 =	sadd.s32 $0xFFFFE003, lr  }
0x1b: {  	s9 =	sadd.s32 $0xFFFFFEF7, lr;
	s5 =	simm.s32 $0xFFFFFFFF;
	p2 =	slt.u32 s8, $0xFFFFF086  }
0x1c: {  	p1 =	slt.u32 s9, $0xF7A;
	s5 =	simm.s32 @!p2 $0x0  }
0x1d: {  	s5 =	simm.s32 @p1 $0x1;
	p0 =	seq.s32 s7, s2  }
0x1e: {  	s7 =	smul.u32 @!p0 $0xF7A, s2;
	p2 =	seq.s32 @!p0 s5, $0x0  }
0x1f: {  	s9 =	smul.u32 $0xF7A, s1;
	s8 =	simm.s32 @!p0 $0x1BF5;
	p2 =	por !p2, p0  }
0x20: {  	[sflag:s8] =	ssyncset.s32 @!p0 $0xFFFFF086;
	s6 =	sadd.s32 @!p0 s3, s7;
	s7 =	simm.s32 @!p0 $0x108  }
0x21: {  	s3 =	sadd.s32 s3, s9;
	s6 =	sadd.s32 @!p0 $0x88, s6;
	s7 =	simm.s32 @p2 $0x1082  }
0x22: {  	[simem:s7], [sflag:s8] =	dma.local @!p0 [hbm:s6], $0xF7A  }
0x23: {  	s9 =	sor.u32 $0xD0000000, s2;
	s6 =	simm.s32 $0x108;
	_ =	swait.ge @!p0 [sflag:s8], $0x0  }
0x24: {  	s3 =	sadd.s32 $0x88, s3;
	s6 =	simm.s32 @!p1 $0x1082;
	[sflag:s4] =	ssyncset.s32 $0xFFFFF086  }
0x25: {  	[simem:s6], [sflag:s4] =	dma.local [hbm:s3], $0xF7A  }
0x26: {  	[smem:$0x3F8C] =	sst s1;
	(tag) =	ssettag s2;
	_ =	strace s9  }
0x27: {  	s1 =	sld [smem:$0x3F9C]  }
0x28: {  	s2 =	sld [smem:$0x3F9D]  }
0x29: {  	s4 =	sld [smem:$0x3F9F]  }
0x2a: {  	p0 =	seq.s32 s5, $0x0;
	s5 =	sld [smem:$0x3FA0]  }
0x2b: {  	s6 =	sld [smem:$0x3FA1]  }
0x2c: {  	s7 =	sld [smem:$0x3FA2]  }
0x2d: {  	s3 =	simm.s32 $0x108;
	s8 =	sld [smem:$0x3FA3]  }
0x2e: {  	s3 =	simm.s32 @!p0 $0x1082;
	s9 =	sld [smem:$0x3FA4]  }
0x2f: {  	lr =	sadd.s32 s0, s3;
	s0 =	sld [smem:$0x3F9B]  }
0x30: {  	s3 =	sld [smem:$0x3F9E]  }
0x31: {  	[smem:$0x3FA7] =	sst s10  }
0x32: {  	s10 =	sld [smem:$0x3FA5];
	_ =	sdelay $0x3  }
0x33: {  	p0 =	seq.s32 s10, $0x1;
	s10 =	sld [smem:$0x3FA7];
	_ =	sdelay $0x3  }
0x34: {  	[smem:$0x3FA7] =	sst s10  }
0x35: {  	s10 =	sld [smem:$0x3FA6];
	_ =	sdelay $0x3  }
0x36: {  	p1 =	seq.s32 s10, $0x1;
	s10 =	sld [smem:$0x3FA7];
	_ =	sdelay $0x3  }
0x37: {  	[smem:$0x3FA7] =	sst s10  }
0x38: {  	s10 =	sld [smem:$0x3FA8]  }
0x39: {  	_ = 	snop;
	(pc) =	sbr.ind lr, $3  }
0x3a: {  	_ = 	snop  }
0x3b: {  	_ = 	snop  }
0x3c: {  	p2 =	seq.s32 s10, $0x1;
	s10 =	sld [smem:$0x3FA7]  }
0x3d: {  	_ =	shalt  }
0x3e: {  	_ =	shalt  }
0x3f: {  	_ =	shalt  }
0x40: {  	_ =	shalt  }
0x41: {  	_ =	shalt  }
0x42: {  	_ =	shalt  }
0x43: {  	_ =	shalt  }
0x44: {  	_ =	shalt  }
0x45: {  	_ =	shalt  }
0x46: {  	_ =	shalt  }
0x47: {  	_ =	shalt  }
0x48: {  	_ =	shalt  }
0x49: {  	_ =	shalt  }
0x4a: {  	_ =	shalt  }
0x4b: {  	_ =	shalt  }
0x4c: {  	_ =	shalt  }
0x4d: {  	_ =	shalt  }
0x4e: {  	_ =	shalt  }
0x4f: {  	_ =	shalt  }
0x50: {  	_ =	shalt  }
0x51: {  	_ =	shalt  }
0x52: {  	_ =	shalt  }
0x53: {  	_ =	shalt  }
0x54: {  	_ =	shalt  }
0x55: {  	_ =	shalt  }
0x56: {  	_ =	shalt  }
0x57: {  	_ =	shalt  }
0x58: {  	_ =	shalt  }
0x59: {  	_ =	shalt  }
0x5a: {  	_ =	shalt  }
0x5b: {  	_ =	shalt  }
0x5c: {  	_ =	shalt  }
0x5d: {  	_ =	shalt  }
0x5e: {  	_ =	shalt  }
0x5f: {  	_ =	shalt  }
0x60: {  	_ =	shalt  }
0x61: {  	_ =	shalt  }
0x62: {  	_ =	shalt  }
0x63: {  	_ =	shalt  }
0x64: {  	_ =	shalt  }
0x65: {  	_ =	shalt  }
0x66: {  	_ =	shalt  }
0x67: {  	_ =	shalt  }
0x68: {  	_ =	shalt  }
0x69: {  	_ =	shalt  }
0x6a: {  	_ =	shalt  }
0x6b: {  	_ =	shalt  }
0x6c: {  	_ =	shalt  }
0x6d: {  	_ =	shalt  }
0x6e: {  	_ =	shalt  }
0x6f: {  	_ =	shalt  }
0x70: {  	_ =	shalt  }
0x71: {  	_ =	shalt  }
0x72: {  	_ =	shalt  }
0x73: {  	_ =	shalt  }
0x74: {  	_ =	shalt  }
0x75: {  	_ =	shalt  }
0x76: {  	_ =	shalt  }
0x77: {  	_ =	shalt  }
0x78: {  	_ =	shalt  }
0x79: {  	_ =	shalt  }
0x7a: {  	_ =	shalt  }
0x7b: {  	_ =	shalt  }
0x7c: {  	_ =	shalt  }
0x7d: {  	_ =	shalt  }
0x7e: {  	_ =	shalt  }
0x7f: {  	_ =	shalt  }
0x80: {  	_ =	shalt  }
0x81: {  	_ =	shalt  }
0x82: {  	_ =	shalt  }
0x83: {  	_ =	shalt  }
0x84: {  	_ =	shalt  }
0x85: {  	_ =	shalt  }
0x86: {  	_ =	shalt  }
0x87: {  	_ =	shalt  }
.Lfunc_end0:
.L_simem_size_0:
called_computation.2_lowered:
.L_overlay_start_0:
0x88: {  	s2 =	sld [smem:$0x3FD9]  }
0x89: {  	s3 =	sld [smem:$0x3FFE];
	_ =	sdelay $0x1  }
0x8a: {  	s1 =	srdreg.scid  }
0x8b: {  	s0 =	sand.u32 $0x1, s1  }
0x8c: {  	s17 =	sshll.u32 s0, $0xA;
	s2 =	sadd.s32 s3, s2  }
0x8d: {  	s2 =	sadd.s32 s2, s17  }
0x8e: {  	[smem:$0x3FB3] =	sst s2  }
0x8f: {  	_ = 	snop  }
0x90: {  	(tm) =	ssettm $0x1  }
0x91: {  	s18 =	sld [smem:$0x3FFB];
	_ =	sdelay $0x3  }
0x92: {  	_ =	strace s18  }
0x93: {  	s2 =	sld [smem:$0x3FFC];
	_ =	sdelay $0x3  }
0x94: {  	_ =	strace s2  }
0x95: {  	s2 =	sld [smem:$0x3FFD];
	_ =	sdelay $0x3  }
0x96: {  	_ =	strace s2  }
0x97: {  	_ =	strace $0x8FFFFFFF  }
0x98: {  	s19 =	sld [smem:$0x3FDB];
	_ =	sdelay $0x1  }
0x99: {  	s20 =	simm.s32 $_scs_section_size  }
0x9a: {  	s4 =	simm.s32 $_size__tile_overlayer_lowered;
	s5 =	simm.s32 $_tile_overlayer_lowered  }
0x9b: {  	s6 =	simm.s32 $0x1BFF;
	s21 =	sshll.u32 s5, $0x1;
	s3 =	sadd.s32 s20, s19  }
0x9c: {  	s22 =	simm.s32 $0x0;
	s4 =	sshll.u32 s4, $0x1;
	s5 =	sadd.s32 s21, s3  }
0x9d: {  	[timem:s22], [sflag:s6] =	dma.local [hbm:s5], s4  }
0x9e: {  	_ =	swait.ge [sflag:s6], s4  }
0x9f: {  	s4 =	ssub.s32 $0x0, s4;
	[sflag:s6] =	ssyncset.done $0x0  }
0xa0: {  	[sflag:s6] =	ssyncadd.s32 s4;
	_ =	sdelay $0x1  }
0xa1: {  	s23 =	simm.s32 $0x1B8B  }
0xa2: {  	_ =	swait.ge [sflag:s23], $0x1  }
0xa3: {  	[sflag:s23] =	ssyncset.done $0x0  }
0xa4: {  	[sflag:s23] =	ssyncadd.s32 $0xFFFFFFFF  }
0xa5: {  	s4 =	sld [smem:$0x0]  }
0xa6: {  	s5 =	sand.u32 $0xFFFFFFFE, s1  }
0xa7: {  	p0 =	sne.s32 s1, s5  }
0xa8: {  	s5 =	sshll.u32 @p0 s5, $0xE  }
0xa9: {  	s5 =	sadd.s32 @p0 $0x11B8D, s5;
	s6 =	sshll.u32 @p0 s4, $0x11  }
0xaa: {  	s5 =	sor.u32 @p0 s6, s5  }
0xab: {  	[sflag:s5] =	ssyncadd.remote.s32 @p0 $0x1;
	_ =	sdelay $0x1  }
0xac: {  	s5 =	simm.s32 @p0 $0x1B8D  }
0xad: {  	_ =	swait.eq @p0 [sflag:s5], $0x1  }
0xae: {  	[sflag:s5] =	ssyncadd.s32 @p0 $0xFFFFFFFF  }
0xaf: {  	s6 =	sshll.u32 @!p0 s1, $0xE  }
0xb0: {  	s6 =	sor.u32 @!p0 $0x4000, s6;
	s5 =	simm.s32 @!p0 $0x1B8D  }
0xb1: {  	s4 =	sshll.u32 @!p0 s4, $0x11;
	s6 =	sadd.s32 @!p0 $0x11B8D, s6;
	_ =	swait.eq @!p0 [sflag:s5], $0x1  }
0xb2: {  	s4 =	sor.u32 @!p0 s4, s6;
	[sflag:s5] =	ssyncadd.s32 @!p0 $0xFFFFFFFF  }
0xb3: {  	s25 =	simm.s32 $0x1B8E;
	s24 =	sld [smem:$0x3FFE];
	[sflag:s4] =	ssyncadd.remote.s32 @!p0 $0x1  }
0xb4: {  	s26 =	simm.s32 $execute0_lowered;
	[smem:$0x3FD2] =	sst s25  }
0xb5: {  	s5 =	sshll.u32 s26, $0x1;
	_ =	strace $0x80000049;
	[dreg:$0x1] =	wrdreg $0xFFFFFFFF  }
0xb6: {  	s28 =	simm.s32 $_size_execute0_lowered;
	s3 =	sadd.s32 s3, s5;
	[dreg:$0x0] =	wrdreg $0x0  }
0xb7: {  	s5 =	sshll.u32 s28, $0x1;
	[dreg:$0x2] =	wrdreg s3  }
0xb8: {  	[dreg:$0x3] =	wrdreg s5  }
0xb9: {  	[dreg:$0x4] =	wrdreg $0xC0  }
0xba: {  	_ =	task [dreg:s22], $0x5FFFF  }
0xbb: {  	[dreg:$0x1] =	wrdreg $0xFFFFFFFF  }
0xbc: {  	[dreg:$0x0] =	wrdreg $0x60  }
0xbd: {  	[dreg:$0x2] =	wrdreg s24  }
0xbe: {  	[dreg:$0x3] =	wrdreg $0xA  }
0xbf: {  	_ =	task.clear_ibuf [dreg:s22], $0x4FFFF;
	_ =	strace $0x90000049  }
0xc0: {  	s29 =	simm.s32 $0xA;
	_ =	strace $0x8000004B  }
0xc1: {  	_ =	swait.ge [sflag:s29], $0x1  }
0xc2: {  	[sflag:s29] =	ssyncadd.s32 $0xFFFFFFFF  }
0xc3: {  	_ =	strace $0x9000004B  }
0xc4: {  	_ =	sfence  }
0xc5: {  	s30 =	sld [smem:$0x0];
	_ =	sdelay $0x2  }
0xc6: {  	s31 =	sshll.u32 s1, $0xD;
	s1 =	sshrl.u32 s1, $0x2  }
0xc7: {  	s4 =	sand.u32 $0x4000, s31;
	s1 =	sadd.s32 s1, s30  }
0xc8: {  	s0 =	sor.u32 s4, s0;
	s1 =	sshll.u32 s1, $0x11  }
0xc9: {  	s0 =	sor.u32 s1, s0  }
0xca: {  	s0 =	sadd.s32 $0x8F2B, s0  }
0xcb: {  	[sflag:s0] =	ssyncadd.remote.s32 $0x1  }
0xcc: {  	_ =	sfence.sel $0xFFFF  }
0xcd: {  	[dreg:$0x0] =	wrdreg $0xFFFFFFFF;
	(pc) =	sbr.abs _section_cstart, $3  }
0xce: {  	[dreg:$0x1] =	wrdreg $0xFFFFFFFF  }
0xcf: {  	_ =	task.clear_ibuf [dreg:s22], $0x2FFFF;
	_ =	strace $0x9FFFFFFF  }
0xd0: {  	(tm) =	ssettm $0x7FFFFFFF  }
0xd1: {  	_ =	shalt  }
tec
execute0_lowered:
.L_overlay_start_1:
0x0: {  	(tag) =	ssettag $0x1  }
0x1: {  	s1 =	srdreg.scid;
	s0 =	stileid.u32  }
0x2: {  	s6 =	rddreg [dreg:$0x0];
	s2 =	simm.s32 $0x0;
	s10 =	simm.s32 $0x1200  }
0x3: {  	s11 =	simm.s32 $0x100;
	s12 =	simm.s32 $0x2200;
	s13 =	simm.s32 $0x180  }
0x4: {  	s14 =	simm.s32 $0x3200;
	s15 =	simm.s32 $0x1;
	s5 =	smul.u32 $0x6400, s0  }
0x5: {  	s4 =	sand.u32 $0x1, s1;
	s1 =	rddreg [dreg:$0x1];
	s8 =	smul.u32 $0xC8000, s0  }
0x6: {  	s16 =	simm.s32 $0x0;
	[smem:$0x7FF] =	sst s2;
	s7 =	smul.u32 $0x3200, s4  }
0x7: {  	s3 =	sadd.s32 $0x13600, s6;
	s9 =	smul.u32 $0x64000, s4;
	s4 =	ssub.s32 $0x2, s4  }
0x8: {  	_ =	strace $0x8000004A;
	s29 =	sshrl.u32 s4, $0x1;
	s5 =	sadd.s32 s7, s5  }
0x9: {  	s28 =	sadd.s32 s9, s8;
	s4 =	ssub.s32 s4, s29;
	s8 =	simm.s32 $0x80  }
0xa: {  	s9 =	simm.s32 $0x200;
	s5 =	sshrl.u32 s5, $0x3;
	s7 =	sshrl.u32 s28, $0x3  }
0xb: {  	s4 =	smax.u32 s4, $0x1;
	s30 =	sadd.s32 s5, s6;
	s31 =	sadd.s32 s7, s6  }
0xc: {  	s7 =	simm.s32 $0x2;
	s5 =	sadd.s32 $0x81A00, s31;
	s6 =	sadd.s32 $0x75200, s30  }
.LBB2_1:
0xd: {  	s17 =	sadd.s32 $0x0, s6  }
0xe: {  	[tilespmem:s2], [sflag:$0x2] =	stream.linear.gather [hbm4b:s17+s2], $0x200, $0x38;
	[tilespmem:$0x4200] =	vst v63  }
0xf: {  	_ =	swait.ge [sflag:s7], $0x200  }
0x10: {  	[sflag:s7] =	ssyncset.done $0x0  }
0x11: {  	[sflag:s7] =	ssyncadd.s32 $0xFFFFFE00  }
0x12: {  	[tilespmem:s9], [sflag:$0x1] =	stream.indirect.gather [hbm4b:s3+s8], $0x20, s2, s8, $0xb8;
	[tilespmem:$0x4200] =	vst v63  }
0x13: {  	_ = 	snop  }
0x14: {  	[tilespmem:s10], [sflag:$0x1] =	stream.indirect.gather [hbm4b:s3+s8], $0x20, s8, s8, $0xb8;
	[tilespmem:$0x4200] =	vst v63  }
0x15: {  	_ = 	snop  }
0x16: {  	[tilespmem:s12], [sflag:$0x1] =	stream.indirect.gather [hbm4b:s3+s8], $0x20, s11, s8, $0xb8;
	[tilespmem:$0x4200] =	vst v63  }
0x17: {  	_ = 	snop  }
0x18: {  	[tilespmem:s14], [sflag:$0x1] =	stream.indirect.gather [hbm4b:s3+s8], $0x20, s13, s8, $0xb8;
	[tilespmem:$0x4200] =	vst v63  }
0x19: {  	_ =	swait.ge [sflag:s15], $0x1000  }
0x1a: {  	[sflag:s15] =	ssyncset.done $0x0  }
0x1b: {  	[sflag:s15] =	ssyncadd.s32 $0xFFFFF000  }
0x1c: {  	_ =	swait.ge [sflag:s15], $0x1000  }
0x1d: {  	[sflag:s15] =	ssyncset.done $0x0  }
0x1e: {  	[sflag:s15] =	ssyncadd.s32 $0xFFFFF000  }
0x1f: {  	_ =	swait.ge [sflag:s15], $0x1000  }
0x20: {  	[sflag:s15] =	ssyncset.done $0x0  }
0x21: {  	[sflag:s15] =	ssyncadd.s32 $0xFFFFF000  }
0x22: {  	_ =	swait.ge [sflag:s15], $0x1000  }
0x23: {  	[sflag:s15] =	ssyncset.done $0x0  }
0x24: {  	[sflag:s15] =	ssyncadd.s32 $0xFFFFF000  }
0x25: {  	[hbm4b:s5+s2] =	stream.linear.scatter [tilespmem:s9], [sflag:$0x2], $0x4000, $0x38;
	[tilespmem:$0x4200] =	vst v63  }
0x26: {  	s18 =	simm.s32 $0x40;
	_ =	swait.ge [sflag:s7], $0x4000  }
0x27: {  	s19 =	simm.s32 $0x80;
	s17 =	sadd.s32 $0x800, s5;
	[sflag:s7] =	ssyncset.done $0x0  }
.LBB2_2:
0x28: {  	s20 =	sadd.s32 s18, s6  }
0x29: {  	[sflag:s7] =	ssyncadd.s32 $0xFFFFC000;
	s18 =	smov.u32 s19;
	s21 =	sadd.s32 $0x40, s19  }
0x2a: {  	[tilespmem:s2], [sflag:$0x2] =	stream.linear.gather [hbm4b:s20+s2], $0x200, $0x38;
	[tilespmem:$0x4200] =	vst v63  }
0x2b: {  	p0 =	sne.s32 s19, $0x600;
	_ =	swait.ge [sflag:s7], $0x200  }
0x2c: {  	[sflag:s7] =	ssyncset.done $0x0  }
0x2d: {  	[sflag:s7] =	ssyncadd.s32 $0xFFFFFE00  }
0x2e: {  	[tilespmem:s9], [sflag:$0x1] =	stream.indirect.gather [hbm4b:s3+s8], $0x20, s2, s8, $0xb8;
	[tilespmem:$0x4200] =	vst v63  }
0x2f: {  	_ = 	snop  }
0x30: {  	[tilespmem:s10], [sflag:$0x1] =	stream.indirect.gather [hbm4b:s3+s8], $0x20, s8, s8, $0xb8;
	[tilespmem:$0x4200] =	vst v63  }
0x31: {  	_ = 	snop  }
0x32: {  	[tilespmem:s12], [sflag:$0x1] =	stream.indirect.gather [hbm4b:s3+s8], $0x20, s11, s8, $0xb8;
	[tilespmem:$0x4200] =	vst v63  }
0x33: {  	_ = 	snop  }
0x34: {  	[tilespmem:s14], [sflag:$0x1] =	stream.indirect.gather [hbm4b:s3+s8], $0x20, s13, s8, $0xb8;
	[tilespmem:$0x4200] =	vst v63  }
0x35: {  	_ =	swait.ge [sflag:s15], $0x1000  }
0x36: {  	[sflag:s15] =	ssyncset.done $0x0  }
0x37: {  	[sflag:s15] =	ssyncadd.s32 $0xFFFFF000  }
0x38: {  	_ =	swait.ge [sflag:s15], $0x1000  }
0x39: {  	[sflag:s15] =	ssyncset.done $0x0  }
0x3a: {  	[sflag:s15] =	ssyncadd.s32 $0xFFFFF000  }
0x3b: {  	_ =	swait.ge [sflag:s15], $0x1000  }
0x3c: {  	[sflag:s15] =	ssyncset.done $0x0  }
0x3d: {  	[sflag:s15] =	ssyncadd.s32 $0xFFFFF000  }
0x3e: {  	_ =	swait.ge [sflag:s15], $0x1000  }
.Ltmp0:
0x3f: {  	[sflag:s15] =	ssyncset.done $0x0;
	(pc) =	sbr.rel @p0 .LBB2_2-.Ltmp0, $4  }
0x40: {  	[sflag:s15] =	ssyncadd.s32 $0xFFFFF000  }
0x41: {  	[hbm4b:s17+s2] =	stream.linear.scatter [tilespmem:s9], [sflag:$0x2], $0x4000, $0x38;
	[tilespmem:$0x4200] =	vst v63  }
0x42: {  	_ =	swait.ge [sflag:s7], $0x4000  }
0x43: {  	s19 =	smov.u32 s21;
	s17 =	sadd.s32 $0x800, s17;
	[sflag:s7] =	ssyncset.done $0x0  }
0x44: {  	s18 =	sadd.s32 s18, s6;
	[sflag:s7] =	ssyncadd.s32 $0xFFFFC000  }
0x45: {  	[tilespmem:s2], [sflag:$0x2] =	stream.linear.gather [hbm4b:s18+s2], $0x200, $0x38;
	[tilespmem:$0x4200] =	vst v63  }
0x46: {  	_ =	swait.ge [sflag:s7], $0x200  }
0x47: {  	[sflag:s7] =	ssyncset.done $0x0  }
0x48: {  	[sflag:s7] =	ssyncadd.s32 $0xFFFFFE00  }
0x49: {  	[tilespmem:s9], [sflag:$0x1] =	stream.indirect.gather [hbm4b:s3+s8], $0x20, s2, s8, $0xb8;
	[tilespmem:$0x4200] =	vst v63  }
0x4a: {  	_ = 	snop  }
0x4b: {  	[tilespmem:s10], [sflag:$0x1] =	stream.indirect.gather [hbm4b:s3+s8], $0x20, s8, s8, $0xb8;
	[tilespmem:$0x4200] =	vst v63  }
0x4c: {  	_ = 	snop  }
0x4d: {  	[tilespmem:s12], [sflag:$0x1] =	stream.indirect.gather [hbm4b:s3+s8], $0x20, s11, s8, $0xb8;
	[tilespmem:$0x4200] =	vst v63  }
0x4e: {  	_ = 	snop  }
0x4f: {  	[tilespmem:s14], [sflag:$0x1] =	stream.indirect.gather [hbm4b:s3+s8], $0x20, s13, s8, $0xb8;
	[tilespmem:$0x4200] =	vst v63  }
0x50: {  	_ =	swait.ge [sflag:s15], $0x1000  }
0x51: {  	[sflag:s15] =	ssyncset.done $0x0  }
0x52: {  	[sflag:s15] =	ssyncadd.s32 $0xFFFFF000  }
0x53: {  	_ =	swait.ge [sflag:s15], $0x1000  }
0x54: {  	[sflag:s15] =	ssyncset.done $0x0  }
0x55: {  	[sflag:s15] =	ssyncadd.s32 $0xFFFFF000  }
0x56: {  	_ =	swait.ge [sflag:s15], $0x1000  }
0x57: {  	[sflag:s15] =	ssyncset.done $0x0  }
0x58: {  	[sflag:s15] =	ssyncadd.s32 $0xFFFFF000  }
0x59: {  	s16 =	sadd.s32 $0x1, s16;
	_ =	swait.ge [sflag:s15], $0x1000  }
0x5a: {  	p0 =	sne.s32 s16, s4;
	[sflag:s15] =	ssyncset.done $0x0  }
.Ltmp1:
0x5b: {  	[sflag:s15] =	ssyncadd.s32 $0xFFFFF000;
	(pc) =	sbr.rel @p0 .LBB2_1-.Ltmp1, $4  }
0x5c: {  	[hbm4b:s17+s2] =	stream.linear.scatter [tilespmem:s9], [sflag:$0x2], $0x4000, $0x38;
	[tilespmem:$0x4200] =	vst v63  }
0x5d: {  	_ =	swait.ge [sflag:s7], $0x4000  }
0x5e: {  	[sflag:s7] =	ssyncset.done $0x0  }
0x5f: {  	[sflag:s7] =	ssyncadd.s32 $0xFFFFC000  }
0x60: {  	_ =	sfence.sel $0x180000  }
0x61: {  	[bflag:$0x0] =	sbarrier.arrive $0xFFFF  }
0x62: {  	p0 =	sne.s32 s0, $0x0;
	_ =	strace $0x9000004A  }
0x63: {  	s0 =	sadd.s32 @!p0 $0x100000, s1;
	[bflag:$0x2] =	sbarrier.arrive $0xFFFF  }
0x64: {  	[sflag:s0] =	ssyncadd.tile.s32 @!p0 $0x1;
	_ =	shalt  }
.Lfunc_end2:
_tile_overlayer_lowered:
.L_overlay_start_2:
0x65: {  	(tag) =	ssettag $0x2  }
0x66: {  	s0 =	rddreg [dreg:$0x0];
	s2 =	stileid.u32  }
0x67: {  	s1 =	rddreg [dreg:$0x1];
	p0 =	sne.s32 s2, $0x0  }
0x68: {  	s3 =	rddreg [dreg:$0x2];
	[bflag:$0x3] =	sbarrier.arrive $0xFFFF;
	s2 =	simm.s32 @!p0 $0x1C02  }
0x69: {  	[timem:s3], [sflag:s2] =	dma.local @!p0 [hbm:s0], s1  }
0x6a: {  	s0 =	simm.s32 @!p0 $0x2  }
0x6b: {  	_ =	swait.ge @!p0 [sflag:s0], s1  }
0x6c: {  	s1 =	ssub.s32 @!p0 $0x0, s1;
	[sflag:s0] =	ssyncset.done @!p0 $0x0  }
0x6d: {  	[sflag:s0] =	ssyncadd.s32 @!p0 s1  }
0x6e: {  	[bflag:$0x3] =	sbarrier.arrive $0xFFFF  }
0x6f: {  	_ =	shalt  }

// kernel: sparse-core-data-format-call.cloned.1.call-start
scs
called_computation_lowered:
.L_overlay_start_0:
0x0: {  	s2 =	sld [smem:$0x3FD9]  }
0x1: {  	s3 =	sld [smem:$0x3FFE];
	_ =	sdelay $0x1  }
0x2: {  	s1 =	srdreg.scid  }
0x3: {  	s0 =	sand.u32 $0x1, s1  }
0x4: {  	s18 =	sshll.u32 s0, $0xA;
	s2 =	sadd.s32 s3, s2  }
0x5: {  	s2 =	sadd.s32 s2, s18  }
0x6: {  	[smem:$0x3FB3] =	sst s2  }
0x7: {  	_ = 	snop  }
0x8: {  	s2 =	sld [smem:$0x3FD0];
	(tm) =	ssettm $0x1  }
0x9: {  	s19 =	sld [smem:$0x3FFB];
	_ =	sdelay $0x3  }
0xa: {  	_ =	strace s19  }
0xb: {  	s3 =	sld [smem:$0x3FFC];
	_ =	sdelay $0x3  }
0xc: {  	_ =	strace s3  }
0xd: {  	s3 =	sld [smem:$0x3FFD];
	_ =	sdelay $0x3  }
0xe: {  	_ =	strace s3  }
0xf: {  	_ =	strace $0x8FFFFFFF  }
0x10: {  	s20 =	sld [smem:$0x3FDB];
	_ =	sdelay $0x1  }
0x11: {  	s4 =	simm.s32 $_scs_section_size  }
0x12: {  	s5 =	simm.s32 $_size__tile_overlayer_lowered;
	s6 =	simm.s32 $_tile_overlayer_lowered  }
0x13: {  	s23 =	simm.s32 $0x1BFF;
	s22 =	sshll.u32 s6, $0x1;
	s3 =	sadd.s32 s4, s20  }
0x14: {  	s7 =	simm.s32 $0x0;
	s21 =	sshll.u32 s5, $0x1;
	s5 =	sadd.s32 s22, s3  }
0x15: {  	[timem:s7], [sflag:s23] =	dma.local [hbm:s5], s21  }
0x16: {  	_ =	swait.ge [sflag:s23], s21  }
0x17: {  	s4 =	ssub.s32 $0x0, s21;
	[sflag:s23] =	ssyncset.done $0x0  }
0x18: {  	[sflag:s23] =	ssyncadd.s32 s4;
	_ =	sdelay $0x1  }
0x19: {  	s24 =	simm.s32 $0x1B8B  }
0x1a: {  	_ =	swait.ge [sflag:s24], $0x1  }
0x1b: {  	[sflag:s24] =	ssyncset.done $0x0  }
0x1c: {  	s26 =	simm.s32 $0x1B8E;
	s25 =	sld [smem:$0x3FFE];
	[sflag:s24] =	ssyncadd.s32 $0xFFFFFFFF  }
0x1d: {  	s27 =	simm.s32 $execute0_lowered;
	[smem:$0x3FD2] =	sst s26  }
0x1e: {  	s5 =	sshll.u32 s27, $0x1;
	_ =	strace $0x8000004C;
	[dreg:$0x1] =	wrdreg $0xFFFFFFFF  }
0x1f: {  	s28 =	simm.s32 $_size_execute0_lowered;
	s3 =	sadd.s32 s3, s5;
	[dreg:$0x0] =	wrdreg $0x0  }
0x20: {  	s5 =	sshll.u32 s28, $0x1;
	[dreg:$0x2] =	wrdreg s3  }
0x21: {  	[dreg:$0x3] =	wrdreg s5  }
0x22: {  	[dreg:$0x4] =	wrdreg $0xC0  }
0x23: {  	_ =	task [dreg:s7], $0x5FFFF  }
0x24: {  	[dreg:$0x1] =	wrdreg $0xFFFFFFFF  }
0x25: {  	[dreg:$0x0] =	wrdreg $0x60  }
0x26: {  	[dreg:$0x2] =	wrdreg s25  }
0x27: {  	[dreg:$0x3] =	wrdreg s2  }
0x28: {  	[dreg:$0x4] =	wrdreg $0x9  }
0x29: {  	_ =	task.clear_ibuf [dreg:s7], $0x5FFFF;
	_ =	strace $0x9000004C  }
0x2a: {  	s29 =	simm.s32 $0x9;
	_ =	strace $0x8000004E  }
0x2b: {  	_ =	swait.ge [sflag:s29], $0x1  }
0x2c: {  	[sflag:s29] =	ssyncadd.s32 $0xFFFFFFFF  }
0x2d: {  	_ =	strace $0x9000004E  }
0x2e: {  	_ =	sfence  }
0x2f: {  	s30 =	sld [smem:$0x0];
	_ =	sdelay $0x2  }
0x30: {  	s31 =	sshll.u32 s1, $0xD;
	s1 =	sshrl.u32 s1, $0x2  }
0x31: {  	s3 =	sand.u32 $0x4000, s31;
	s1 =	sadd.s32 s1, s30  }
0x32: {  	s0 =	sor.u32 s3, s0;
	s1 =	sshll.u32 s1, $0x11  }
0x33: {  	s0 =	sor.u32 s1, s0  }
0x34: {  	s0 =	sadd.s32 $0x8F2B, s0  }
0x35: {  	[sflag:s0] =	ssyncadd.remote.s32 $0x1  }
0x36: {  	_ =	sfence.sel $0xFFFF  }
0x37: {  	[dreg:$0x0] =	wrdreg $0xFFFFFFFF;
	(pc) =	sbr.abs _section_cstart, $3  }
0x38: {  	[dreg:$0x1] =	wrdreg $0xFFFFFFFF  }
0x39: {  	_ =	task.clear_ibuf [dreg:s7], $0x2FFFF;
	_ =	strace $0x9FFFFFFF  }
0x3a: {  	(tm) =	ssettm $0x7FFFFFFF  }
0x3b: {  	_ =	shalt  }
tec
execute0_lowered:
.L_overlay_start_1:
0x0: {  	(tag) =	ssettag $0x1  }
0x1: {  	s0 =	srdreg.scid  }
0x2: {  	s1 =	sshll.u32 s0, $0x4  }
0x3: {  	s0 =	stileid.u32;
	s1 =	sand.u32 $0x10, s1  }
0x4: {  	s1 =	sor.u32 s0, s1  }
0x5: {  	s6 =	rddreg [dreg:$0x0];
	s4 =	simm.s32 $0x1;
	s2 =	sshll.u32 s1, $0x7  }
0x6: {  	s7 =	simm.s32 $0x2;
	s12 =	simm.s32 $0x0;
	s1 =	ssub.s32 $0x1000, s2  }
0x7: {  	s8 =	simm.s32 $0x8000;
	s13 =	simm.s32 $0x0;
	s3 =	sand.u32 $0xF80, s1  }
0x8: {  	s9 =	simm.s32 $0x0;
	s5 =	sshrl.u32 s1, $0xC;
	p0 =	sne.s32 s3, $0x0  }
.Ltmp0:
0x9: {  	s1 =	rddreg [dreg:$0x2];
	s4 =	simm.s32 @!p0 $0x0;
	(pc) =	sbr.rel .LBB1_1-.Ltmp0, $4  }
0xa: {  	s11 =	simm.s32 $0x0;
	s3 =	rddreg [dreg:$0x1];
	s5 =	sadd.s32 s4, s5  }
0xb: {  	_ =	strace $0x8000004D;
	s4 =	simm.s32 $0x1;
	s5 =	smul.u32 $0xC8, s5  }
0xc: {  	s6 =	sadd.s32 $0xFF9C00, s6;
	s10 =	smov.u32 s2;
	[sflag:s4] =	ssyncpa.u1 $0x0  }
0xd: {  	p0 =	por $0x0, $0x0;
	[sflag:s7] =	ssyncpa.u1 $0x0;
	s7 =	sor.u32 $0x1, s5  }
.LBB1_4:
0xe: {  	s16 =	sshll.u32 s13, $0x3;
	s17 =	sand.u32 $0x78, s13  }
0xf: {  	s30 =	sand.u32 $0x7E00, s13;
	s12 =	sshll.u32 s12, $0xF;
	s16 =	sand.u32 $0xC00, s16  }
0x10: {  	[tilespmem:s15+$0x810 ss:$0x81] =	vst.msk $0xffff, v2;
	s31 =	sand.u32 $0x7, s13;
	s16 =	sor.u32 s17, s16;
	s17 =	sadd.s32 s3, s30  }
0x11: {  	[tilespmem:s15+$0x1020 ss:$0x81] =	vst.msk $0xffff, v0;
	s13 =	sshll.u32 s31, $0x12;
	s12 =	sadd.s32 s12, s17;
	s16 =	sshrl.u32 s16, $0x3  }
0x12: {  	[tilespmem:s15+$0x0 ss:$0x81] =	vst.msk $0xffff, v1;
	s13 =	sor.u32 $0x400, s13;
	s12 =	sadd.s32 s16, s12  }
0x13: {  	[hbm4b:s12+s13] =	stream.strided.scatter [tilespmem:s14], [sflag:$0x2], $0x2000, s8, s13, $0x20;
	[tilespmem:$0x8080] =	vst v63  }
.LBB1_5:
0x14: {  	s14 =	sadd.s32 $0x1, s9  }
0x15: {  	s12 =	sadd.s32 $0x1000, s10;
	s16 =	smov.u32 s10;
	p2 =	sgt.s32 s14, $0xC7  }
0x16: {  	s16 =	smov.u32 @p2 s12  }
0x17: {  	s14 =	simm.s32 @p2 $0x0;
	p2 =	sgt.s32 s16, $0xFFF  }
0x18: {  	s16 =	smov.u32 @p2 s2;
	p2 =	sne.s32 s11, s7  }
.Ltmp1:
0x19: {  	p1 =	slt.u32 s11, $0x2;
	(pc) =	sbr.rel @!p2 .LBB1_6-.Ltmp1, $4  }
0x1a: {  	s15 =	simm.s32 @!p1 $0x2  }
0x1b: {  	s13 =	smov.u32 s10;
	p0 =	por !p0, !p0;
	_ =	swait.ge @!p1 [sflag:s15], $0x2000  }
0x1c: {  	s12 =	smov.u32 s9;
	[sflag:s15] =	ssyncset.done @!p1 $0x0;
	s9 =	smov.u32 s14  }
0x1d: {  	s11 =	sadd.s32 $0x1, s11;
	[sflag:s15] =	ssyncadd.s32 @!p1 $0xFFFFE000;
	s10 =	smov.u32 s16  }
.LBB1_1:
0x1e: {  	p1 =	sge.u32 s11, s5  }
0x1f: {  	s14 =	sand.u32 @!p1 $0x1FFFFFF, s9  }
0x20: {  	s15 =	smulhi.u32 @!p1 $0x147AE15, s14;
	_ =	sdelay $0x1  }
0x21: {  	s15 =	smul.u32 @!p1 $0xC8, s15  }
0x22: {  	s16 =	sxor.u32 @!p1 $0xFFFFFFFF, s11;
	s17 =	smul.u32 @!p1 $0xC80, s10  }
0x23: {  	s31 =	sadd.s32 $0xFFFFFFFF, s11;
	s16 =	sshll.u32 @!p1 s16, $0xD;
	s14 =	ssub.s32 @!p1 s14, s15  }
0x24: {  	s15 =	sand.u32 @!p1 $0x2000, s16;
	s16 =	sadd.s32 @!p1 s6, s17;
	s14 =	sshll.u32 @!p1 s14, $0x4  }
0x25: {  	s17 =	simm.s32 @!p1 $0x6400;
	s14 =	sadd.s32 @!p1 s14, s16;
	s16 =	simm.s32 @!p1 $0x40  }
0x26: {  	[tilespmem:s15], [sflag:$0x1] =	stream.strided.gather @!p1 [hbm4b:s14+s16], $0x2000, s17, s16, $0x38;
	[tilespmem:$0x8080] =	vst v63  }
0x27: {  	p1 =	sge.u32 s31, s5  }
.Ltmp2:
0x28: {  	_ = 	snop;
	(pc) =	sbr.rel @p1 .LBB1_5-.Ltmp2, $1  }
0x29: {  	_ =	sdelay $0x3  }
0x2a: {  	s14 =	simm.s32 $0x1  }
0x2b: {  	_ =	swait.ge [sflag:s4], $0x2000;
	s14 =	simm.s32 @!p0 $0x0  }
0x2c: {  	[sflag:s4] =	ssyncset.done $0x0;
	s15 =	sshll.u32 s14, $0xD  }
0x2d: {  	[sflag:s4] =	ssyncadd.s32 $0xFFFFE000;
	s18 =	sor.u32 $0x20, s15  }
0x2e: {  	s14 =	smul.u32 $0x8100, s14;
	v3 =	vld [tilespmem:s18+$0x10]  }
0x2f: {  	s30 =	sand.u32 $0x1, s11;
	v2 =	vld [tilespmem:s18+$0xFFFFFFF0]  }
0x30: {  	s15 =	smul.u32 $0x8100, s30;
	s14 =	sshrl.u32 s14, $0x2;
	v0 =	vld [tilespmem:s18+$0x0]  }
0x31: {  	v1 =	vld [tilespmem:s18+$0xFFFFFFE0];
	s16 =	sor.u32 $0x4000, s14  }
0x32: {  	s31 =	sshrl.u32 s15, $0x2;
	s15 =	sadd.s32 $0x0, s16  }
0x33: {  	s17 =	simm.s32 $0x4;
	s18 =	sadd.s32 $0x40, s18;
	s14 =	sor.u32 $0x4000, s31;
	[tilespmem:s15+$0x1830 ss:$0x81] =	vst.msk $0xffff, v3  }
.LBB1_3:
0x34: {  	v3 =	vld [tilespmem:s18+$0x10];
	p1 =	sne.s32 s17, $0x1FC;
	[tilespmem:s15+$0x810 ss:$0x81] =	vst.msk $0xffff, v2;
	s19 =	smov.u32 s17;
	s17 =	sadd.s32 $0x4, s17  }
.Ltmp3:
0x35: {  	v2 =	vld [tilespmem:s18+$0xFFFFFFF0];
	[tilespmem:s15+$0x1020 ss:$0x81] =	vst.msk $0xffff, v0;
	(pc) =	sbr.rel @p1 .LBB1_3-.Ltmp3, $4  }
0x36: {  	v0 =	vld [tilespmem:s18+$0x0];
	[tilespmem:s15+$0x0 ss:$0x81] =	vst.msk $0xffff, v1  }
0x37: {  	s15 =	sshra.s32 s19, $0x2;
	v1 =	vld [tilespmem:s18+$0xFFFFFFE0]  }
0x38: {  	s15 =	sadd.s32 s15, s16  }
0x39: {  	s18 =	sadd.s32 $0x40, s18;
	[tilespmem:s15+$0x1830 ss:$0x81] =	vst.msk $0xffff, v3  }
.Ltmp4:
0x3a: {  	_ = 	snop;
	(pc) =	sbr.rel .LBB1_4-.Ltmp4, $1  }
0x3b: {  	_ =	sdelay $0x3  }
.LBB1_6:
0x3c: {  	_ =	sfence.sel $0x180000  }
0x3d: {  	s2 =	simm.s32 $0x1;
	[bflag:$0x0] =	sbarrier.arrive $0xFFFF  }
0x3e: {  	s31 =	simm.s32 $0x2;
	[sflag:s2] =	ssyncpa.u1 $0x1  }
0x3f: {  	[sflag:s31] =	ssyncpa.u1 $0x1  }
0x40: {  	p0 =	sne.s32 s0, $0x0;
	_ =	strace $0x9000004D  }
0x41: {  	s0 =	sadd.s32 @!p0 $0x100000, s1;
	[bflag:$0x2] =	sbarrier.arrive $0xFFFF  }
0x42: {  	[sflag:s0] =	ssyncadd.tile.s32 @!p0 $0x1;
	_ =	shalt  }
.Lfunc_end1:
_tile_overlayer_lowered:
.L_overlay_start_2:
0x43: {  	(tag) =	ssettag $0x2  }
0x44: {  	s0 =	rddreg [dreg:$0x0];
	s2 =	stileid.u32  }
0x45: {  	s1 =	rddreg [dreg:$0x1];
	p0 =	sne.s32 s2, $0x0  }
0x46: {  	s3 =	rddreg [dreg:$0x2];
	[bflag:$0x3] =	sbarrier.arrive $0xFFFF;
	s2 =	simm.s32 @!p0 $0x1C01  }
0x47: {  	[timem:s3], [sflag:s2] =	dma.local @!p0 [hbm:s0], s1  }
0x48: {  	s0 =	simm.s32 @!p0 $0x1  }
0x49: {  	_ =	swait.ge @!p0 [sflag:s0], s1  }
0x4a: {  	s1 =	ssub.s32 @!p0 $0x0, s1;
	[sflag:s0] =	ssyncset.done @!p0 $0x0  }
0x4b: {  	[sflag:s0] =	ssyncadd.s32 @!p0 s1  }
0x4c: {  	[bflag:$0x3] =	sbarrier.arrive $0xFFFF  }
0x4d: {  	_ =	shalt  }

</sc_bundles>
